<compile_context>
chip_gen: v7x
topology: tpu7x:2x2x1
jax: 0.10.2.dev20260603
libtpu: 0.0.44.dev20260713+nightly
codegen_flags: <defaults>
</compile_context>

<pallas_src>
import functools

import jax
import jax.numpy as jnp
from jax import lax
from jax.experimental import pallas as pl
from jax.experimental.pallas import tpu as pltpu
from jax.experimental.pallas import tpu_sc as plsc

_S = 256
_H = 128
_NC = 10
_NCORES = 2
_NSUB = 16
_NW = _NCORES * _NSUB


def _reduce_chunk(buf):
    zero = jnp.zeros((16,), jnp.float32)

    def row_body(r, accs):
        al, ar = accs
        for k in range(8):
            al = al + buf[r, pl.ds(k * 16, 16)]
            ar = ar + buf[r, pl.ds(_H + k * 16, 16)]
        return al, ar

    return lax.fori_loop(0, _H, row_body, (zero, zero))


def _sc_body(imgs_per_w, chunk0, x_hbm, out_hbm, buf0, buf1, outv, sem0, sem1):
    wid = lax.axis_index("s") * _NCORES + lax.axis_index("c")
    chunks_per_w = 2 * imgs_per_w
    obase = wid * imgs_per_w
    base = chunk0 + wid * chunks_per_w

    pltpu.make_async_copy(x_hbm.at[base], buf0, sem0).start()
    pltpu.make_async_copy(x_hbm.at[base + 1], buf1, sem1).start()

    lanes = lax.iota(jnp.int32, 16)
    omask = lanes < 4

    def img_body(i, carry):
        c0 = base + 2 * i
        pltpu.make_async_copy(x_hbm.at[c0], buf0, sem0).wait()
        al0, ar0 = _reduce_chunk(buf0)

        @pl.when(i < imgs_per_w - 1)
        def _():
            pltpu.make_async_copy(x_hbm.at[c0 + 2], buf0, sem0).start()

        pltpu.make_async_copy(x_hbm.at[c0 + 1], buf1, sem1).wait()
        al1, ar1 = _reduce_chunk(buf1)

        @pl.when(i < imgs_per_w - 1)
        def _():
            pltpu.make_async_copy(x_hbm.at[c0 + 3], buf1, sem1).start()

        q0 = jnp.sum(al0)
        q3 = jnp.sum(ar0)
        q1 = jnp.sum(al1)
        q2 = jnp.sum(ar1)
        vec = jnp.where(lanes == 0, q0,
                        jnp.where(lanes == 1, q1,
                                  jnp.where(lanes == 2, q2, q3)))
        row = jnp.full((16,), i, jnp.int32)
        plsc.store_scatter(outv, [row, lanes], vec, mask=omask)
        return 0

    lax.fori_loop(0, imgs_per_w, img_body, 0)
    pltpu.sync_copy(outv, out_hbm.at[pl.ds(obase, imgs_per_w), :])


def _sc_part(x, k_sc):
    n = x.shape[0]
    imgs_per_w = k_sc // _NW
    x2 = x.reshape(2 * n, _H, _S)
    mesh = plsc.VectorSubcoreMesh(core_axis_name="c", subcore_axis_name="s")
    return pl.kernel(
        functools.partial(_sc_body, imgs_per_w, 2 * (n - k_sc)),
        out_type=jax.ShapeDtypeStruct((k_sc, 4), jnp.float32),
        mesh=mesh,
        compiler_params=pltpu.CompilerParams(needs_layout_passes=False),
        scratch_types=[
            pltpu.VMEM((_H, _S), jnp.float32),
            pltpu.VMEM((_H, _S), jnp.float32),
            pltpu.VMEM((imgs_per_w, 4), jnp.float32),
            pltpu.SemaphoreType.DMA,
            pltpu.SemaphoreType.DMA,
        ],
    )(x2)


def _fold_and_apply(tl, bl, br, tr, v_ref, g_ref, b_ref, w_ref, fb_ref):
    nb = tl.shape[0]
    v3 = v_ref[...]
    vsq = jnp.sum(v3 * v3, axis=2, keepdims=True)
    w3 = g_ref[...] * v3 * lax.rsqrt(vsq)
    b = b_ref[...]
    wrow = jnp.concatenate([w3[i] for i in range(4)], axis=1)
    brow = jnp.concatenate([b[i][None, :] for i in range(4)], axis=1)
    aggrep = jnp.concatenate(
        [jnp.broadcast_to(t[:, None], (nb, 4)) for t in (tl, bl, br, tr)],
        axis=1)
    y16 = aggrep * wrow + brow
    return (lax.dot_general(y16, w_ref[...], (((1,), (1,)), ((), ())),
                            preferred_element_type=jnp.float32)
            + fb_ref[...])


def _tc_body(x_ref, v_ref, g_ref, b_ref, w_ref, fb_ref, out_ref):
    xb = x_ref[...]
    tl = jnp.sum(xb[:, :_H, :_H], axis=(1, 2))
    bl = jnp.sum(xb[:, _H:, :_H], axis=(1, 2))
    br = jnp.sum(xb[:, _H:, _H:], axis=(1, 2))
    tr = jnp.sum(xb[:, :_H, _H:], axis=(1, 2))
    out_ref[...] = _fold_and_apply(tl, bl, br, tr,
                                   v_ref, g_ref, b_ref, w_ref, fb_ref)


def _aff_body(agg_ref, v_ref, g_ref, b_ref, w_ref, fb_ref, out_ref):
    agg = agg_ref[...]
    out_ref[...] = _fold_and_apply(agg[:, 0], agg[:, 1], agg[:, 2], agg[:, 3],
                                   v_ref, g_ref, b_ref, w_ref, fb_ref)


def _aff_part(agg, fgl_v, fgl_g, fgl_b, fc_w, fc_b):
    k = agg.shape[0]
    return pl.pallas_call(
        _aff_body,
        grid=(1,),
        in_specs=[
            pl.BlockSpec((k, 4), lambda i: (0, 0)),
            pl.BlockSpec((4, 1, 4), lambda i: (0, 0, 0)),
            pl.BlockSpec((4, 1, 1), lambda i: (0, 0, 0)),
            pl.BlockSpec((4, 4), lambda i: (0, 0)),
            pl.BlockSpec((_NC, 16), lambda i: (0, 0)),
            pl.BlockSpec((1, _NC), lambda i: (0, 0)),
        ],
        out_specs=pl.BlockSpec((k, _NC), lambda i: (0, 0)),
        out_shape=jax.ShapeDtypeStruct((k, _NC), jnp.float32),
    )(agg, fgl_v, fgl_g, fgl_b, fc_w, fc_b.reshape(1, _NC))


_BB = 32


def _tc_part(x, k_sc, fgl_v, fgl_g, fgl_b, fc_w, fc_b):
    n = x.shape[0]
    return pl.pallas_call(
        _tc_body,
        grid=((n - k_sc) // _BB,),
        in_specs=[
            pl.BlockSpec((_BB, _S, _S), lambda i: (i, 0, 0)),
            pl.BlockSpec((4, 1, 4), lambda i: (0, 0, 0)),
            pl.BlockSpec((4, 1, 1), lambda i: (0, 0, 0)),
            pl.BlockSpec((4, 4), lambda i: (0, 0)),
            pl.BlockSpec((_NC, 16), lambda i: (0, 0)),
            pl.BlockSpec((1, _NC), lambda i: (0, 0)),
        ],
        out_specs=pl.BlockSpec((_BB, _NC), lambda i: (i, 0)),
        out_shape=jax.ShapeDtypeStruct((n - k_sc, _NC), jnp.float32),
    )(x, fgl_v, fgl_g, fgl_b, fc_w, fc_b.reshape(1, _NC))


_K_SC = 128


def kernel(x, fgl_v, fgl_g, fgl_b, fc_w, fc_b):
    out_tc = _tc_part(x, _K_SC, fgl_v, fgl_g, fgl_b, fc_w, fc_b)
    agg_sc = _sc_part(x, _K_SC)
    out_sc = _aff_part(agg_sc, fgl_v, fgl_g, fgl_b, fc_w, fc_b)
    return jnp.concatenate([out_tc, out_sc], axis=0)

# --- scband reference (transcript-rebuilt; emitter-appended) ---
"""Pipeline reference for scband-classifier0-1443109012173 (READ-ONLY COPY).

The authoritative reference and input builder live on the scoring server;
editing this copy changes nothing except your own understanding.
"""

import jax, jax.numpy as jnp
import numpy as np

S = 256
N_CLASSES = 10
BATCH = 1024
NOUT = 4
COUT = 4


def _quad_segment_ids(s):
    # quadrant_adjacency from the original module, expressed as segment ids
    q = np.zeros((s, s), dtype=np.int32)
    q[s // 2:, :s // 2] = 1
    q[s // 2:, s // 2:] = 2
    q[:s // 2, s // 2:] = 3
    return jnp.asarray(q.reshape(s * s))


def setup_inputs(seed: int = 0) -> dict:
    key = jax.random.key(seed)
    ks = jax.random.split(key, 4)
    x = jax.random.normal(ks[0], (BATCH, S, S), dtype=jnp.float32)
    # weight-normed FGL params: v (direction), g (magnitude, dim=0 style), bias
    fgl_v = jax.random.normal(ks[1], (NOUT, 1, COUT), dtype=jnp.float32) * 0.1
    fgl_g = jnp.ones((NOUT, 1, 1), dtype=jnp.float32)
    fgl_b = jnp.zeros((NOUT, COUT), dtype=jnp.float32)
    # final Linear(nout*cout=16 -> n_classes)
    fc_w = jax.random.normal(ks[2], (N_CLASSES, NOUT * COUT), dtype=jnp.float32) * 0.1
    fc_b = jnp.zeros((N_CLASSES,), dtype=jnp.float32)
    return {"x": x, "fgl_v": fgl_v, "fgl_g": fgl_g, "fgl_b": fgl_b, "fc_w": fc_w, "fc_b": fc_b}


def reference(x, fgl_v, fgl_g, fgl_b, fc_w, fc_b):
    N = x.shape[0]
    s = x.shape[1]
    xf = x.reshape(N, s * s)  # x.unsqueeze(1).view(N, -1), cin=1
    seg = _quad_segment_ids(s)
    # FGL 'sum' reduction over each output node's adjacency list (quadrant)
    agg = jax.ops.segment_sum(xf.T, seg, num_segments=NOUT).T  # [N, 4]
    # weight normalization: W = g * v / ||v|| (norm over all dims except 0)
    vnorm = jnp.sqrt(jnp.sum(fgl_v ** 2, axis=(1, 2), keepdims=True))
    W = (fgl_g * fgl_v / vnorm).reshape(NOUT, COUT)  # [4, 4] (cin=1 squeezed)
    y = agg[:, :, None] * W[None, :, :] + fgl_b[None, :, :]  # [N, 4, 4]
    y = y.reshape(N, NOUT * COUT)  # .view(N, -1)
    return y @ fc_w.T + fc_b  # [N, n_classes]

if __name__ == "__main__":
    import jax
    _d = setup_inputs()
    print(jax.jit(kernel)(*tuple(_d.values())))

</pallas_src>

<mosaic_0001>
#map = affine_map<(d0, d1) -> (0, 0, 0)>
#map1 = affine_map<(d0, d1) -> (0, 0)>
module attributes {stable_mosaic.version = 14 : i64} {
  func.func @_sc_body(%arg0: i32, %arg1: i32, %arg2: memref<2048x128x256xf32, #tpu.memory_space<hbm>>, %arg3: memref<128x4xf32, #tpu.memory_space<hbm>>, %arg4: memref<128x256xf32, #tpu.memory_space<vmem>>, %arg5: memref<128x256xf32, #tpu.memory_space<vmem>>, %arg6: memref<4x4xf32, #tpu.memory_space<vmem>>, %arg7: memref<!tpu.dma_semaphore, #tpu.memory_space<semaphore_mem>>, %arg8: memref<!tpu.dma_semaphore, #tpu.memory_space<semaphore_mem>>) attributes {dimension_semantics = [#tpu.dimension_semantics<core_parallel>, #tpu.dimension_semantics<subcore_parallel>], iteration_bounds = array<i64: 2, 16>, scalar_prefetch = 0 : i64, scratch_operands = 5 : i64, tpu.core_type = #tpu.core_type<sc_vector_subcore>, window_params = [{transform_indices = #map}, {transform_indices = #map1}]} {
    %mul3A = arith.constant 2 : i32
    %mul3A_0 = arith.muli %arg1, %mul3A : i32
    %add3A = arith.addi %mul3A_0, %arg0 : i32
    %mul3A_1 = arith.constant 4 : i32
    %mul3A_2 = arith.muli %add3A, %mul3A_1 : i32
    %mul3A_3 = arith.constant 8 : i32
    %mul3A_4 = arith.muli %add3A, %mul3A_3 : i32
    %add3A_5 = arith.constant 1792 : i32
    %add3A_6 = arith.addi %add3A_5, %mul3A_4 : i32
    %dma_start3A = arith.constant 0 : i32
    %dma_start3A_7 = arith.constant 0 : i32
    %dma_start3A_8 = tpu.memref_slice %arg2[%add3A_6, %dma_start3A, %dma_start3A_7] : memref<2048x128x256xf32, #tpu.memory_space<hbm>> -> memref<1x128x256xf32, #tpu.memory_space<hbm>>
    %dma_start3A_9 = tpu.memref_squeeze %dma_start3A_8 : memref<1x128x256xf32, #tpu.memory_space<hbm>> -> memref<128x256xf32, #tpu.memory_space<hbm>>
    %dma_start3A_10 = arith.constant 0 : i32
    %dma_start3A_11 = arith.constant 0 : i32
    %dma_start3A_12 = tpu.memref_slice %arg2[%add3A_6, %dma_start3A_10, %dma_start3A_11] : memref<2048x128x256xf32, #tpu.memory_space<hbm>> -> memref<1x128x256xf32, #tpu.memory_space<hbm>>
    %dma_start3A_13 = tpu.memref_squeeze %dma_start3A_12 : memref<1x128x256xf32, #tpu.memory_space<hbm>> -> memref<128x256xf32, #tpu.memory_space<hbm>>
    tpu.enqueue_dma source(%dma_start3A_13 : memref<128x256xf32, #tpu.memory_space<hbm>>) target(%arg4 : memref<128x256xf32, #tpu.memory_space<vmem>>) target_semaphore(%arg7 : memref<!tpu.dma_semaphore, #tpu.memory_space<semaphore_mem>>)
    %add3A_14 = arith.constant 1 : i32
    %add3A_15 = arith.addi %add3A_6, %add3A_14 : i32
    %dma_start3A_16 = arith.constant 0 : i32
    %dma_start3A_17 = arith.constant 0 : i32
    %dma_start3A_18 = tpu.memref_slice %arg2[%add3A_15, %dma_start3A_16, %dma_start3A_17] : memref<2048x128x256xf32, #tpu.memory_space<hbm>> -> memref<1x128x256xf32, #tpu.memory_space<hbm>>
    %dma_start3A_19 = tpu.memref_squeeze %dma_start3A_18 : memref<1x128x256xf32, #tpu.memory_space<hbm>> -> memref<128x256xf32, #tpu.memory_space<hbm>>
    %dma_start3A_20 = arith.constant 0 : i32
    %dma_start3A_21 = arith.constant 0 : i32
    %dma_start3A_22 = tpu.memref_slice %arg2[%add3A_15, %dma_start3A_20, %dma_start3A_21] : memref<2048x128x256xf32, #tpu.memory_space<hbm>> -> memref<1x128x256xf32, #tpu.memory_space<hbm>>
    %dma_start3A_23 = tpu.memref_squeeze %dma_start3A_22 : memref<1x128x256xf32, #tpu.memory_space<hbm>> -> memref<128x256xf32, #tpu.memory_space<hbm>>
    tpu.enqueue_dma source(%dma_start3A_23 : memref<128x256xf32, #tpu.memory_space<hbm>>) target(%arg5 : memref<128x256xf32, #tpu.memory_space<vmem>>) target_semaphore(%arg8 : memref<!tpu.dma_semaphore, #tpu.memory_space<semaphore_mem>>)
    %iota3A = tpu.iota {dimensions = array<i32: 0>} : vector<16xi32>
    %lt3A = arith.constant 4 : i32
    %lt3A_24 = vector.broadcast %lt3A : i32 to vector<16xi32>
    %lt3A_25 = arith.cmpi slt, %iota3A, %lt3A_24 : vector<16xi32>
    %scan3A = arith.constant 0 : i32
    %scan3A_26 = arith.constant 0 : i32
    %scan3A_27 = arith.constant 4 : i32
    %scan3A_28 = arith.addi %scan3A_26, %scan3A_27 : i32
    %scan3A_29 = arith.constant 1 : i32
    %scan3A_30 = scf.for %scan3A_32 = %scan3A_26 to %scan3A_28 step %scan3A_29 iter_args(%scan3A_33 = %scan3A) -> (i32)  : i32 {
      %mul3A_34 = arith.constant 2 : i32
      %mul3A_35 = arith.muli %mul3A_34, %scan3A_32 : i32
      %add3A_36 = arith.addi %add3A_6, %mul3A_35 : i32
      %dma_wait3A = arith.constant 0 : i32
      %dma_wait3A_37 = arith.constant 0 : i32
      %dma_wait3A_38 = tpu.memref_slice %arg2[%add3A_36, %dma_wait3A, %dma_wait3A_37] : memref<2048x128x256xf32, #tpu.memory_space<hbm>> -> memref<1x128x256xf32, #tpu.memory_space<hbm>>
      %dma_wait3A_39 = tpu.memref_squeeze %dma_wait3A_38 : memref<1x128x256xf32, #tpu.memory_space<hbm>> -> memref<128x256xf32, #tpu.memory_space<hbm>>
      %dma_wait3A_40 = arith.constant 0 : i32
      %dma_wait3A_41 = arith.constant 0 : i32
      %dma_wait3A_42 = tpu.memref_slice %arg2[%add3A_36, %dma_wait3A_40, %dma_wait3A_41] : memref<2048x128x256xf32, #tpu.memory_space<hbm>> -> memref<1x128x256xf32, #tpu.memory_space<hbm>>
      %dma_wait3A_43 = tpu.memref_squeeze %dma_wait3A_42 : memref<1x128x256xf32, #tpu.memory_space<hbm>> -> memref<128x256xf32, #tpu.memory_space<hbm>>
      tpu.wait_dma2 semaphore(%arg7 : memref<!tpu.dma_semaphore, #tpu.memory_space<semaphore_mem>>) src(%dma_wait3A_43 : memref<128x256xf32, #tpu.memory_space<hbm>>) dst(%arg4 : memref<128x256xf32, #tpu.memory_space<vmem>>)
      %broadcast_in_dim3A = arith.constant 0.000000e+00 : f32
      %broadcast_in_dim3A_44 = vector.broadcast %broadcast_in_dim3A : f32 to vector<16xf32>
      %scan3A_45 = arith.constant 0 : i32
      %scan3A_46 = arith.constant 128 : i32
      %scan3A_47 = arith.addi %scan3A_45, %scan3A_46 : i32
      %scan3A_48 = arith.constant 1 : i32
      %scan3A_49:2 = scf.for %scan3A_108 = %scan3A_45 to %scan3A_47 step %scan3A_48 iter_args(%scan3A_109 = %broadcast_in_dim3A_44, %scan3A_110 = %broadcast_in_dim3A_44) -> (vector<16xf32>, vector<16xf32>)  : i32 {
        %get3A = arith.index_cast %scan3A_108 : i32 to index
        %get3A_111 = arith.constant 0 : index
        %get3A_112 = tpu.vector_load %arg4[%get3A, %get3A_111] {strides = array<i32>} : memref<128x256xf32, #tpu.memory_space<vmem>>, vector<16xf32>,
        %add3A_113 = arith.addf %scan3A_109, %get3A_112 : vector<16xf32>
        %get3A_114 = arith.index_cast %scan3A_108 : i32 to index
        %get3A_115 = arith.constant 128 : index
        %get3A_116 = tpu.vector_load %arg4[%get3A_114, %get3A_115] {strides = array<i32>} : memref<128x256xf32, #tpu.memory_space<vmem>>, vector<16xf32>,
        %add3A_117 = arith.addf %scan3A_110, %get3A_116 : vector<16xf32>
        %get3A_118 = arith.index_cast %scan3A_108 : i32 to index
        %get3A_119 = arith.constant 16 : index
        %get3A_120 = tpu.vector_load %arg4[%get3A_118, %get3A_119] {strides = array<i32>} : memref<128x256xf32, #tpu.memory_space<vmem>>, vector<16xf32>,
        %add3A_121 = arith.addf %add3A_113, %get3A_120 : vector<16xf32>
        %get3A_122 = arith.index_cast %scan3A_108 : i32 to index
        %get3A_123 = arith.constant 144 : index
        %get3A_124 = tpu.vector_load %arg4[%get3A_122, %get3A_123] {strides = array<i32>} : memref<128x256xf32, #tpu.memory_space<vmem>>, vector<16xf32>,
        %add3A_125 = arith.addf %add3A_117, %get3A_124 : vector<16xf32>
        %get3A_126 = arith.index_cast %scan3A_108 : i32 to index
        %get3A_127 = arith.constant 32 : index
        %get3A_128 = tpu.vector_load %arg4[%get3A_126, %get3A_127] {strides = array<i32>} : memref<128x256xf32, #tpu.memory_space<vmem>>, vector<16xf32>,
        %add3A_129 = arith.addf %add3A_121, %get3A_128 : vector<16xf32>
        %get3A_130 = arith.index_cast %scan3A_108 : i32 to index
        %get3A_131 = arith.constant 160 : index
        %get3A_132 = tpu.vector_load %arg4[%get3A_130, %get3A_131] {strides = array<i32>} : memref<128x256xf32, #tpu.memory_space<vmem>>, vector<16xf32>,
        %add3A_133 = arith.addf %add3A_125, %get3A_132 : vector<16xf32>
        %get3A_134 = arith.index_cast %scan3A_108 : i32 to index
        %get3A_135 = arith.constant 48 : index
        %get3A_136 = tpu.vector_load %arg4[%get3A_134, %get3A_135] {strides = array<i32>} : memref<128x256xf32, #tpu.memory_space<vmem>>, vector<16xf32>,
        %add3A_137 = arith.addf %add3A_129, %get3A_136 : vector<16xf32>
        %get3A_138 = arith.index_cast %scan3A_108 : i32 to index
        %get3A_139 = arith.constant 176 : index
        %get3A_140 = tpu.vector_load %arg4[%get3A_138, %get3A_139] {strides = array<i32>} : memref<128x256xf32, #tpu.memory_space<vmem>>, vector<16xf32>,
        %add3A_141 = arith.addf %add3A_133, %get3A_140 : vector<16xf32>
        %get3A_142 = arith.index_cast %scan3A_108 : i32 to index
        %get3A_143 = arith.constant 64 : index
        %get3A_144 = tpu.vector_load %arg4[%get3A_142, %get3A_143] {strides = array<i32>} : memref<128x256xf32, #tpu.memory_space<vmem>>, vector<16xf32>,
        %add3A_145 = arith.addf %add3A_137, %get3A_144 : vector<16xf32>
        %get3A_146 = arith.index_cast %scan3A_108 : i32 to index
        %get3A_147 = arith.constant 192 : index
        %get3A_148 = tpu.vector_load %arg4[%get3A_146, %get3A_147] {strides = array<i32>} : memref<128x256xf32, #tpu.memory_space<vmem>>, vector<16xf32>,
        %add3A_149 = arith.addf %add3A_141, %get3A_148 : vector<16xf32>
        %get3A_150 = arith.index_cast %scan3A_108 : i32 to index
        %get3A_151 = arith.constant 80 : index
        %get3A_152 = tpu.vector_load %arg4[%get3A_150, %get3A_151] {strides = array<i32>} : memref<128x256xf32, #tpu.memory_space<vmem>>, vector<16xf32>,
        %add3A_153 = arith.addf %add3A_145, %get3A_152 : vector<16xf32>
        %get3A_154 = arith.index_cast %scan3A_108 : i32 to index
        %get3A_155 = arith.constant 208 : index
        %get3A_156 = tpu.vector_load %arg4[%get3A_154, %get3A_155] {strides = array<i32>} : memref<128x256xf32, #tpu.memory_space<vmem>>, vector<16xf32>,
        %add3A_157 = arith.addf %add3A_149, %get3A_156 : vector<16xf32>
        %get3A_158 = arith.index_cast %scan3A_108 : i32 to index
        %get3A_159 = arith.constant 96 : index
        %get3A_160 = tpu.vector_load %arg4[%get3A_158, %get3A_159] {strides = array<i32>} : memref<128x256xf32, #tpu.memory_space<vmem>>, vector<16xf32>,
        %add3A_161 = arith.addf %add3A_153, %get3A_160 : vector<16xf32>
        %get3A_162 = arith.index_cast %scan3A_108 : i32 to index
        %get3A_163 = arith.constant 224 : index
        %get3A_164 = tpu.vector_load %arg4[%get3A_162, %get3A_163] {strides = array<i32>} : memref<128x256xf32, #tpu.memory_space<vmem>>, vector<16xf32>,
        %add3A_165 = arith.addf %add3A_157, %get3A_164 : vector<16xf32>
        %get3A_166 = arith.index_cast %scan3A_108 : i32 to index
        %get3A_167 = arith.constant 112 : index
        %get3A_168 = tpu.vector_load %arg4[%get3A_166, %get3A_167] {strides = array<i32>} : memref<128x256xf32, #tpu.memory_space<vmem>>, vector<16xf32>,
        %add3A_169 = arith.addf %add3A_161, %get3A_168 : vector<16xf32>
        %get3A_170 = arith.index_cast %scan3A_108 : i32 to index
        %get3A_171 = arith.constant 240 : index
        %get3A_172 = tpu.vector_load %arg4[%get3A_170, %get3A_171] {strides = array<i32>} : memref<128x256xf32, #tpu.memory_space<vmem>>, vector<16xf32>,
        %add3A_173 = arith.addf %add3A_165, %get3A_172 : vector<16xf32>
        scf.yield %add3A_169, %add3A_173 : vector<16xf32>, vector<16xf32>
      }
      %scan3A_50 = arith.constant 128 : i32
      %lt3A_51 = arith.constant 3 : i32
      %lt3A_52 = arith.cmpi slt, %scan3A_32, %lt3A_51 : i32
      %convert_element_type3A = arith.extui %lt3A_52 : i1 to i32
      %cond3A = arith.constant 0 : i32
      %cond3A_53 = arith.cmpi ne, %convert_element_type3A, %cond3A : i32
      scf.if %cond3A_53 {
        %add3A_108 = arith.constant 2 : i32
        %add3A_109 = arith.addi %add3A_36, %add3A_108 : i32
        %dma_start3A_110 = arith.constant 0 : i32
        %dma_start3A_111 = arith.constant 0 : i32
        %dma_start3A_112 = tpu.memref_slice %arg2[%add3A_109, %dma_start3A_110, %dma_start3A_111] : memref<2048x128x256xf32, #tpu.memory_space<hbm>> -> memref<1x128x256xf32, #tpu.memory_space<hbm>>
        %dma_start3A_113 = tpu.memref_squeeze %dma_start3A_112 : memref<1x128x256xf32, #tpu.memory_space<hbm>> -> memref<128x256xf32, #tpu.memory_space<hbm>>
        %dma_start3A_114 = arith.constant 0 : i32
        %dma_start3A_115 = arith.constant 0 : i32
        %dma_start3A_116 = tpu.memref_slice %arg2[%add3A_109, %dma_start3A_114, %dma_start3A_115] : memref<2048x128x256xf32, #tpu.memory_space<hbm>> -> memref<1x128x256xf32, #tpu.memory_space<hbm>>
        %dma_start3A_117 = tpu.memref_squeeze %dma_start3A_116 : memref<1x128x256xf32, #tpu.memory_space<hbm>> -> memref<128x256xf32, #tpu.memory_space<hbm>>
        tpu.enqueue_dma source(%dma_start3A_117 : memref<128x256xf32, #tpu.memory_space<hbm>>) target(%arg4 : memref<128x256xf32, #tpu.memory_space<vmem>>) target_semaphore(%arg7 : memref<!tpu.dma_semaphore, #tpu.memory_space<semaphore_mem>>)
      } else {
      }
      %add3A_54 = arith.constant 1 : i32
      %add3A_55 = arith.addi %add3A_36, %add3A_54 : i32
      %dma_wait3A_56 = arith.constant 0 : i32
      %dma_wait3A_57 = arith.constant 0 : i32
      %dma_wait3A_58 = tpu.memref_slice %arg2[%add3A_55, %dma_wait3A_56, %dma_wait3A_57] : memref<2048x128x256xf32, #tpu.memory_space<hbm>> -> memref<1x128x256xf32, #tpu.memory_space<hbm>>
      %dma_wait3A_59 = tpu.memref_squeeze %dma_wait3A_58 : memref<1x128x256xf32, #tpu.memory_space<hbm>> -> memref<128x256xf32, #tpu.memory_space<hbm>>
      %dma_wait3A_60 = arith.constant 0 : i32
      %dma_wait3A_61 = arith.constant 0 : i32
      %dma_wait3A_62 = tpu.memref_slice %arg2[%add3A_55, %dma_wait3A_60, %dma_wait3A_61] : memref<2048x128x256xf32, #tpu.memory_space<hbm>> -> memref<1x128x256xf32, #tpu.memory_space<hbm>>
      %dma_wait3A_63 = tpu.memref_squeeze %dma_wait3A_62 : memref<1x128x256xf32, #tpu.memory_space<hbm>> -> memref<128x256xf32, #tpu.memory_space<hbm>>
      tpu.wait_dma2 semaphore(%arg8 : memref<!tpu.dma_semaphore, #tpu.memory_space<semaphore_mem>>) src(%dma_wait3A_63 : memref<128x256xf32, #tpu.memory_space<hbm>>) dst(%arg5 : memref<128x256xf32, #tpu.memory_space<vmem>>)
      %broadcast_in_dim3A_64 = arith.constant 0.000000e+00 : f32
      %broadcast_in_dim3A_65 = vector.broadcast %broadcast_in_dim3A_64 : f32 to vector<16xf32>
      %scan3A_66 = arith.constant 0 : i32
      %scan3A_67 = arith.constant 128 : i32
      %scan3A_68 = arith.addi %scan3A_66, %scan3A_67 : i32
      %scan3A_69 = arith.constant 1 : i32
      %scan3A_70:2 = scf.for %scan3A_108 = %scan3A_66 to %scan3A_68 step %scan3A_69 iter_args(%scan3A_109 = %broadcast_in_dim3A_65, %scan3A_110 = %broadcast_in_dim3A_65) -> (vector<16xf32>, vector<16xf32>)  : i32 {
        %get3A = arith.index_cast %scan3A_108 : i32 to index
        %get3A_111 = arith.constant 0 : index
        %get3A_112 = tpu.vector_load %arg5[%get3A, %get3A_111] {strides = array<i32>} : memref<128x256xf32, #tpu.memory_space<vmem>>, vector<16xf32>,
        %add3A_113 = arith.addf %scan3A_109, %get3A_112 : vector<16xf32>
        %get3A_114 = arith.index_cast %scan3A_108 : i32 to index
        %get3A_115 = arith.constant 128 : index
        %get3A_116 = tpu.vector_load %arg5[%get3A_114, %get3A_115] {strides = array<i32>} : memref<128x256xf32, #tpu.memory_space<vmem>>, vector<16xf32>,
        %add3A_117 = arith.addf %scan3A_110, %get3A_116 : vector<16xf32>
        %get3A_118 = arith.index_cast %scan3A_108 : i32 to index
        %get3A_119 = arith.constant 16 : index
        %get3A_120 = tpu.vector_load %arg5[%get3A_118, %get3A_119] {strides = array<i32>} : memref<128x256xf32, #tpu.memory_space<vmem>>, vector<16xf32>,
        %add3A_121 = arith.addf %add3A_113, %get3A_120 : vector<16xf32>
        %get3A_122 = arith.index_cast %scan3A_108 : i32 to index
        %get3A_123 = arith.constant 144 : index
        %get3A_124 = tpu.vector_load %arg5[%get3A_122, %get3A_123] {strides = array<i32>} : memref<128x256xf32, #tpu.memory_space<vmem>>, vector<16xf32>,
        %add3A_125 = arith.addf %add3A_117, %get3A_124 : vector<16xf32>
        %get3A_126 = arith.index_cast %scan3A_108 : i32 to index
        %get3A_127 = arith.constant 32 : index
        %get3A_128 = tpu.vector_load %arg5[%get3A_126, %get3A_127] {strides = array<i32>} : memref<128x256xf32, #tpu.memory_space<vmem>>, vector<16xf32>,
        %add3A_129 = arith.addf %add3A_121, %get3A_128 : vector<16xf32>
        %get3A_130 = arith.index_cast %scan3A_108 : i32 to index
        %get3A_131 = arith.constant 160 : index
        %get3A_132 = tpu.vector_load %arg5[%get3A_130, %get3A_131] {strides = array<i32>} : memref<128x256xf32, #tpu.memory_space<vmem>>, vector<16xf32>,
        %add3A_133 = arith.addf %add3A_125, %get3A_132 : vector<16xf32>
        %get3A_134 = arith.index_cast %scan3A_108 : i32 to index
        %get3A_135 = arith.constant 48 : index
        %get3A_136 = tpu.vector_load %arg5[%get3A_134, %get3A_135] {strides = array<i32>} : memref<128x256xf32, #tpu.memory_space<vmem>>, vector<16xf32>,
        %add3A_137 = arith.addf %add3A_129, %get3A_136 : vector<16xf32>
        %get3A_138 = arith.index_cast %scan3A_108 : i32 to index
        %get3A_139 = arith.constant 176 : index
        %get3A_140 = tpu.vector_load %arg5[%get3A_138, %get3A_139] {strides = array<i32>} : memref<128x256xf32, #tpu.memory_space<vmem>>, vector<16xf32>,
        %add3A_141 = arith.addf %add3A_133, %get3A_140 : vector<16xf32>
        %get3A_142 = arith.index_cast %scan3A_108 : i32 to index
        %get3A_143 = arith.constant 64 : index
        %get3A_144 = tpu.vector_load %arg5[%get3A_142, %get3A_143] {strides = array<i32>} : memref<128x256xf32, #tpu.memory_space<vmem>>, vector<16xf32>,
        %add3A_145 = arith.addf %add3A_137, %get3A_144 : vector<16xf32>
        %get3A_146 = arith.index_cast %scan3A_108 : i32 to index
        %get3A_147 = arith.constant 192 : index
        %get3A_148 = tpu.vector_load %arg5[%get3A_146, %get3A_147] {strides = array<i32>} : memref<128x256xf32, #tpu.memory_space<vmem>>, vector<16xf32>,
        %add3A_149 = arith.addf %add3A_141, %get3A_148 : vector<16xf32>
        %get3A_150 = arith.index_cast %scan3A_108 : i32 to index
        %get3A_151 = arith.constant 80 : index
        %get3A_152 = tpu.vector_load %arg5[%get3A_150, %get3A_151] {strides = array<i32>} : memref<128x256xf32, #tpu.memory_space<vmem>>, vector<16xf32>,
        %add3A_153 = arith.addf %add3A_145, %get3A_152 : vector<16xf32>
        %get3A_154 = arith.index_cast %scan3A_108 : i32 to index
        %get3A_155 = arith.constant 208 : index
        %get3A_156 = tpu.vector_load %arg5[%get3A_154, %get3A_155] {strides = array<i32>} : memref<128x256xf32, #tpu.memory_space<vmem>>, vector<16xf32>,
        %add3A_157 = arith.addf %add3A_149, %get3A_156 : vector<16xf32>
        %get3A_158 = arith.index_cast %scan3A_108 : i32 to index
        %get3A_159 = arith.constant 96 : index
        %get3A_160 = tpu.vector_load %arg5[%get3A_158, %get3A_159] {strides = array<i32>} : memref<128x256xf32, #tpu.memory_space<vmem>>, vector<16xf32>,
        %add3A_161 = arith.addf %add3A_153, %get3A_160 : vector<16xf32>
        %get3A_162 = arith.index_cast %scan3A_108 : i32 to index
        %get3A_163 = arith.constant 224 : index
        %get3A_164 = tpu.vector_load %arg5[%get3A_162, %get3A_163] {strides = array<i32>} : memref<128x256xf32, #tpu.memory_space<vmem>>, vector<16xf32>,
        %add3A_165 = arith.addf %add3A_157, %get3A_164 : vector<16xf32>
        %get3A_166 = arith.index_cast %scan3A_108 : i32 to index
        %get3A_167 = arith.constant 112 : index
        %get3A_168 = tpu.vector_load %arg5[%get3A_166, %get3A_167] {strides = array<i32>} : memref<128x256xf32, #tpu.memory_space<vmem>>, vector<16xf32>,
        %add3A_169 = arith.addf %add3A_161, %get3A_168 : vector<16xf32>
        %get3A_170 = arith.index_cast %scan3A_108 : i32 to index
        %get3A_171 = arith.constant 240 : index
        %get3A_172 = tpu.vector_load %arg5[%get3A_170, %get3A_171] {strides = array<i32>} : memref<128x256xf32, #tpu.memory_space<vmem>>, vector<16xf32>,
        %add3A_173 = arith.addf %add3A_165, %get3A_172 : vector<16xf32>
        scf.yield %add3A_169, %add3A_173 : vector<16xf32>, vector<16xf32>
      }
      %scan3A_71 = arith.constant 128 : i32
      %lt3A_72 = arith.constant 3 : i32
      %lt3A_73 = arith.cmpi slt, %scan3A_32, %lt3A_72 : i32
      %convert_element_type3A_74 = arith.extui %lt3A_73 : i1 to i32
      %cond3A_75 = arith.constant 0 : i32
      %cond3A_76 = arith.cmpi ne, %convert_element_type3A_74, %cond3A_75 : i32
      scf.if %cond3A_76 {
        %add3A_108 = arith.constant 3 : i32
        %add3A_109 = arith.addi %add3A_36, %add3A_108 : i32
        %dma_start3A_110 = arith.constant 0 : i32
        %dma_start3A_111 = arith.constant 0 : i32
        %dma_start3A_112 = tpu.memref_slice %arg2[%add3A_109, %dma_start3A_110, %dma_start3A_111] : memref<2048x128x256xf32, #tpu.memory_space<hbm>> -> memref<1x128x256xf32, #tpu.memory_space<hbm>>
        %dma_start3A_113 = tpu.memref_squeeze %dma_start3A_112 : memref<1x128x256xf32, #tpu.memory_space<hbm>> -> memref<128x256xf32, #tpu.memory_space<hbm>>
        %dma_start3A_114 = arith.constant 0 : i32
        %dma_start3A_115 = arith.constant 0 : i32
        %dma_start3A_116 = tpu.memref_slice %arg2[%add3A_109, %dma_start3A_114, %dma_start3A_115] : memref<2048x128x256xf32, #tpu.memory_space<hbm>> -> memref<1x128x256xf32, #tpu.memory_space<hbm>>
        %dma_start3A_117 = tpu.memref_squeeze %dma_start3A_116 : memref<1x128x256xf32, #tpu.memory_space<hbm>> -> memref<128x256xf32, #tpu.memory_space<hbm>>
        tpu.enqueue_dma source(%dma_start3A_117 : memref<128x256xf32, #tpu.memory_space<hbm>>) target(%arg5 : memref<128x256xf32, #tpu.memory_space<vmem>>) target_semaphore(%arg8 : memref<!tpu.dma_semaphore, #tpu.memory_space<semaphore_mem>>)
      } else {
      }
      %reduce_sum3A = arith.constant true
      %reduce_sum3A_77 = vector.broadcast %reduce_sum3A : i1 to vector<16xi1>
      %reduce_sum3A_78 = tpu.scan <sum>, %scan3A_49#0 masked %reduce_sum3A_77 : vector<16xf32>, vector<16xi1> -> vector<16xf32>
      %reduce_sum3A_79 = vector.extract %reduce_sum3A_78[15] : f32 from vector<16xf32>
      %reduce_sum3A_80 = arith.constant true
      %reduce_sum3A_81 = vector.broadcast %reduce_sum3A_80 : i1 to vector<16xi1>
      %reduce_sum3A_82 = tpu.scan <sum>, %scan3A_49#1 masked %reduce_sum3A_81 : vector<16xf32>, vector<16xi1> -> vector<16xf32>
      %reduce_sum3A_83 = vector.extract %reduce_sum3A_82[15] : f32 from vector<16xf32>
      %reduce_sum3A_84 = arith.constant true
      %reduce_sum3A_85 = vector.broadcast %reduce_sum3A_84 : i1 to vector<16xi1>
      %reduce_sum3A_86 = tpu.scan <sum>, %scan3A_70#0 masked %reduce_sum3A_85 : vector<16xf32>, vector<16xi1> -> vector<16xf32>
      %reduce_sum3A_87 = vector.extract %reduce_sum3A_86[15] : f32 from vector<16xf32>
      %reduce_sum3A_88 = arith.constant true
      %reduce_sum3A_89 = vector.broadcast %reduce_sum3A_88 : i1 to vector<16xi1>
      %reduce_sum3A_90 = tpu.scan <sum>, %scan3A_70#1 masked %reduce_sum3A_89 : vector<16xf32>, vector<16xi1> -> vector<16xf32>
      %reduce_sum3A_91 = vector.extract %reduce_sum3A_90[15] : f32 from vector<16xf32>
      %eq3A = arith.constant 0 : i32
      %eq3A_92 = vector.broadcast %eq3A : i32 to vector<16xi32>
      %eq3A_93 = arith.cmpi eq, %iota3A, %eq3A_92 : vector<16xi32>
      %eq3A_94 = arith.constant 1 : i32
      %eq3A_95 = vector.broadcast %eq3A_94 : i32 to vector<16xi32>
      %eq3A_96 = arith.cmpi eq, %iota3A, %eq3A_95 : vector<16xi32>
      %eq3A_97 = arith.constant 2 : i32
      %eq3A_98 = vector.broadcast %eq3A_97 : i32 to vector<16xi32>
      %eq3A_99 = arith.cmpi eq, %iota3A, %eq3A_98 : vector<16xi32>
      %broadcast_in_dim3A_100 = vector.broadcast %reduce_sum3A_91 : f32 to vector<16xf32>
      %broadcast_in_dim3A_101 = vector.broadcast %reduce_sum3A_83 : f32 to vector<16xf32>
      %select_n3A = arith.select %eq3A_99, %broadcast_in_dim3A_100, %broadcast_in_dim3A_101 : vector<16xi1>, vector<16xf32>
      %broadcast_in_dim3A_102 = vector.broadcast %reduce_sum3A_87 : f32 to vector<16xf32>
      %select_n3A_103 = arith.select %eq3A_96, %broadcast_in_dim3A_102, %select_n3A : vector<16xi1>, vector<16xf32>
      %broadcast_in_dim3A_104 = vector.broadcast %reduce_sum3A_79 : f32 to vector<16xf32>
      %select_n3A_105 = arith.select %eq3A_93, %broadcast_in_dim3A_104, %select_n3A_103 : vector<16xi1>, vector<16xf32>
      %broadcast_in_dim3A_106 = vector.broadcast %scan3A_32 : i32 to vector<16xi32>
      tpu.vector_store_idx %arg6[%broadcast_in_dim3A_106, %iota3A], %select_n3A_105 masked %lt3A_25 : memref<4x4xf32, #tpu.memory_space<vmem>>[vector<16xi32>, vector<16xi32>], vector<16xf32>, vector<16xi1>
      %scan3A_107 = arith.constant 0 : i32
      scf.yield %scan3A_107 : i32
    }
    %scan3A_31 = arith.constant 4 : i32
    "tpu.region"() ({
      %run_scoped3A = tpu.sem_alloc : memref<!tpu.dma_semaphore, #tpu.memory_space<semaphore_mem>>
      %dma_start3A_32 = arith.constant 0 : i32
      %dma_start3A_33 = tpu.memref_slice %arg3[%mul3A_2, %dma_start3A_32] : memref<128x4xf32, #tpu.memory_space<hbm>> -> memref<4x4xf32, #tpu.memory_space<hbm>>
      %dma_start3A_34 = arith.constant 0 : i32
      %dma_start3A_35 = tpu.memref_slice %arg3[%mul3A_2, %dma_start3A_34] : memref<128x4xf32, #tpu.memory_space<hbm>> -> memref<4x4xf32, #tpu.memory_space<hbm>>
      tpu.enqueue_dma source(%arg6 : memref<4x4xf32, #tpu.memory_space<vmem>>) target(%dma_start3A_35 : memref<4x4xf32, #tpu.memory_space<hbm>>) target_semaphore(%run_scoped3A : memref<!tpu.dma_semaphore, #tpu.memory_space<semaphore_mem>>)
      %dma_wait3A = arith.constant 0 : i32
      %dma_wait3A_36 = tpu.memref_slice %arg3[%mul3A_2, %dma_wait3A] : memref<128x4xf32, #tpu.memory_space<hbm>> -> memref<4x4xf32, #tpu.memory_space<hbm>>
      %dma_wait3A_37 = arith.constant 0 : i32
      %dma_wait3A_38 = tpu.memref_slice %arg3[%mul3A_2, %dma_wait3A_37] : memref<128x4xf32, #tpu.memory_space<hbm>> -> memref<4x4xf32, #tpu.memory_space<hbm>>
      tpu.wait_dma2 semaphore(%run_scoped3A : memref<!tpu.dma_semaphore, #tpu.memory_space<semaphore_mem>>) src(%arg6 : memref<4x4xf32, #tpu.memory_space<vmem>>) dst(%dma_wait3A_38 : memref<4x4xf32, #tpu.memory_space<hbm>>)
      tpu.yield
    }) : () -> ()
    return
  }
}

module attributes {stable_mosaic.version = 14 : i64} {
  func.func @_aff_body(%arg0: i32, %arg1: memref<128x4xf32, #tpu.memory_space<vmem>>, %arg2: memref<4x1x4xf32, #tpu.memory_space<vmem>>, %arg3: memref<4x1x1xf32, #tpu.memory_space<vmem>>, %arg4: memref<4x4xf32, #tpu.memory_space<vmem>>, %arg5: memref<10x16xf32, #tpu.memory_space<vmem>>, %arg6: memref<1x10xf32, #tpu.memory_space<vmem>>, %arg7: memref<128x10xf32, #tpu.memory_space<vmem>>) attributes {dimension_semantics = [#tpu.dimension_semantics<arbitrary>], iteration_bounds = array<i64: 1>, scalar_prefetch = 0 : i64, scratch_operands = 0 : i64, tpu.core_type = #tpu.core_type<tc>, window_params = [{pipeline_mode = #tpu.pipeline_mode<synchronous>, transform_indices = @transform_0, window_bounds = array<i64: 128, 4>}, {pipeline_mode = #tpu.pipeline_mode<synchronous>, transform_indices = @transform_1, window_bounds = array<i64: 4, 1, 4>}, {pipeline_mode = #tpu.pipeline_mode<synchronous>, transform_indices = @transform_2, window_bounds = array<i64: 4, 1, 1>}, {pipeline_mode = #tpu.pipeline_mode<synchronous>, transform_indices = @transform_3, window_bounds = array<i64: 4, 4>}, {pipeline_mode = #tpu.pipeline_mode<synchronous>, transform_indices = @transform_4, window_bounds = array<i64: 10, 16>}, {pipeline_mode = #tpu.pipeline_mode<synchronous>, transform_indices = @transform_5, window_bounds = array<i64: 1, 10>}, {pipeline_mode = #tpu.pipeline_mode<synchronous>, transform_indices = @transform_6, window_bounds = array<i64: 128, 10>}]} {
    %get3A = arith.constant 0 : index
    %get3A_0 = arith.constant 0 : index
    %get3A_1 = vector.load %arg1[%get3A, %get3A_0] : memref<128x4xf32, #tpu.memory_space<vmem>>, vector<128x4xf32>
    %slice3A = vector.extract_strided_slice %get3A_1 {offsets = [0, 0], sizes = [128, 1], strides = [1, 1]} : vector<128x4xf32> to vector<128x1xf32>
    %squeeze3A = vector.shape_cast %slice3A : vector<128x1xf32> to vector<128xf32>
    %slice3A_2 = vector.extract_strided_slice %get3A_1 {offsets = [0, 1], sizes = [128, 1], strides = [1, 1]} : vector<128x4xf32> to vector<128x1xf32>
    %squeeze3A_3 = vector.shape_cast %slice3A_2 : vector<128x1xf32> to vector<128xf32>
    %slice3A_4 = vector.extract_strided_slice %get3A_1 {offsets = [0, 2], sizes = [128, 1], strides = [1, 1]} : vector<128x4xf32> to vector<128x1xf32>
    %squeeze3A_5 = vector.shape_cast %slice3A_4 : vector<128x1xf32> to vector<128xf32>
    %slice3A_6 = vector.extract_strided_slice %get3A_1 {offsets = [0, 3], sizes = [128, 1], strides = [1, 1]} : vector<128x4xf32> to vector<128x1xf32>
    %squeeze3A_7 = vector.shape_cast %slice3A_6 : vector<128x1xf32> to vector<128xf32>
    %get3A_8 = arith.constant 0 : index
    %get3A_9 = arith.constant 0 : index
    %get3A_10 = arith.constant 0 : index
    %get3A_11 = vector.load %arg2[%get3A_8, %get3A_9, %get3A_10] : memref<4x1x4xf32, #tpu.memory_space<vmem>>, vector<4x1x4xf32>
    %mul3A = arith.mulf %get3A_11, %get3A_11 : vector<4x1x4xf32>
    %reduce_sum3A = arith.constant dense<0.000000e+00> : vector<4x1xf32>
    %reduce_sum3A_12 = vector.multi_reduction <add>, %mul3A, %reduce_sum3A [2] : vector<4x1x4xf32> to vector<4x1xf32>
    %broadcast_in_dim3A = vector.shape_cast %reduce_sum3A_12 : vector<4x1xf32> to vector<4x1x1xf32>
    %get3A_13 = arith.constant 0 : index
    %get3A_14 = arith.constant 0 : index
    %get3A_15 = arith.constant 0 : index
    %get3A_16 = vector.load %arg3[%get3A_13, %get3A_14, %get3A_15] : memref<4x1x1xf32, #tpu.memory_space<vmem>>, vector<4x1x1xf32>
    %mul3A_17 = vector.broadcast %get3A_16 : vector<4x1x1xf32> to vector<4x1x4xf32>
    %mul3A_18 = arith.mulf %mul3A_17, %get3A_11 : vector<4x1x4xf32>
    %rsqrt3A = math.rsqrt %broadcast_in_dim3A : vector<4x1x1xf32>
    %mul3A_19 = vector.broadcast %rsqrt3A : vector<4x1x1xf32> to vector<4x1x4xf32>
    %mul3A_20 = arith.mulf %mul3A_18, %mul3A_19 : vector<4x1x4xf32>
    %get3A_21 = arith.constant 0 : index
    %get3A_22 = arith.constant 0 : index
    %get3A_23 = vector.load %arg4[%get3A_21, %get3A_22] : memref<4x4xf32, #tpu.memory_space<vmem>>, vector<4x4xf32>
    %slice3A_24 = vector.extract_strided_slice %mul3A_20 {offsets = [0, 0, 0], sizes = [1, 1, 4], strides = [1, 1, 1]} : vector<4x1x4xf32> to vector<1x1x4xf32>
    %squeeze3A_25 = vector.shape_cast %slice3A_24 : vector<1x1x4xf32> to vector<1x4xf32>
    %slice3A_26 = vector.extract_strided_slice %mul3A_20 {offsets = [1, 0, 0], sizes = [1, 1, 4], strides = [1, 1, 1]} : vector<4x1x4xf32> to vector<1x1x4xf32>
    %squeeze3A_27 = vector.shape_cast %slice3A_26 : vector<1x1x4xf32> to vector<1x4xf32>
    %slice3A_28 = vector.extract_strided_slice %mul3A_20 {offsets = [2, 0, 0], sizes = [1, 1, 4], strides = [1, 1, 1]} : vector<4x1x4xf32> to vector<1x1x4xf32>
    %squeeze3A_29 = vector.shape_cast %slice3A_28 : vector<1x1x4xf32> to vector<1x4xf32>
    %slice3A_30 = vector.extract_strided_slice %mul3A_20 {offsets = [3, 0, 0], sizes = [1, 1, 4], strides = [1, 1, 1]} : vector<4x1x4xf32> to vector<1x1x4xf32>
    %squeeze3A_31 = vector.shape_cast %slice3A_30 : vector<1x1x4xf32> to vector<1x4xf32>
    %concatenate3A = tpu.concatenate %squeeze3A_25, %squeeze3A_27, %squeeze3A_29, %squeeze3A_31 in 1 : vector<1x4xf32>, vector<1x4xf32>, vector<1x4xf32>, vector<1x4xf32> -> vector<1x16xf32>
    %slice3A_32 = vector.extract_strided_slice %get3A_23 {offsets = [0, 0], sizes = [1, 4], strides = [1, 1]} : vector<4x4xf32> to vector<1x4xf32>
    %squeeze3A_33 = vector.shape_cast %slice3A_32 : vector<1x4xf32> to vector<4xf32>
    %broadcast_in_dim3A_34 = vector.shape_cast %squeeze3A_33 : vector<4xf32> to vector<1x4xf32>
    %slice3A_35 = vector.extract_strided_slice %get3A_23 {offsets = [1, 0], sizes = [1, 4], strides = [1, 1]} : vector<4x4xf32> to vector<1x4xf32>
    %squeeze3A_36 = vector.shape_cast %slice3A_35 : vector<1x4xf32> to vector<4xf32>
    %broadcast_in_dim3A_37 = vector.shape_cast %squeeze3A_36 : vector<4xf32> to vector<1x4xf32>
    %slice3A_38 = vector.extract_strided_slice %get3A_23 {offsets = [2, 0], sizes = [1, 4], strides = [1, 1]} : vector<4x4xf32> to vector<1x4xf32>
    %squeeze3A_39 = vector.shape_cast %slice3A_38 : vector<1x4xf32> to vector<4xf32>
    %broadcast_in_dim3A_40 = vector.shape_cast %squeeze3A_39 : vector<4xf32> to vector<1x4xf32>
    %slice3A_41 = vector.extract_strided_slice %get3A_23 {offsets = [3, 0], sizes = [1, 4], strides = [1, 1]} : vector<4x4xf32> to vector<1x4xf32>
    %squeeze3A_42 = vector.shape_cast %slice3A_41 : vector<1x4xf32> to vector<4xf32>
    %broadcast_in_dim3A_43 = vector.shape_cast %squeeze3A_42 : vector<4xf32> to vector<1x4xf32>
    %concatenate3A_44 = tpu.concatenate %broadcast_in_dim3A_34, %broadcast_in_dim3A_37, %broadcast_in_dim3A_40, %broadcast_in_dim3A_43 in 1 : vector<1x4xf32>, vector<1x4xf32>, vector<1x4xf32>, vector<1x4xf32> -> vector<1x16xf32>
    %broadcast_in_dim3A_45 = vector.shape_cast %squeeze3A : vector<128xf32> to vector<128x1xf32>
    %broadcast_in_dim3A_46 = vector.shape_cast %broadcast_in_dim3A_45 : vector<128x1xf32> to vector<128x1xf32>
    %broadcast_in_dim3A_47 = vector.broadcast %broadcast_in_dim3A_46 : vector<128x1xf32> to vector<128x4xf32>
    %broadcast_in_dim3A_48 = vector.shape_cast %squeeze3A_3 : vector<128xf32> to vector<128x1xf32>
    %broadcast_in_dim3A_49 = vector.shape_cast %broadcast_in_dim3A_48 : vector<128x1xf32> to vector<128x1xf32>
    %broadcast_in_dim3A_50 = vector.broadcast %broadcast_in_dim3A_49 : vector<128x1xf32> to vector<128x4xf32>
    %broadcast_in_dim3A_51 = vector.shape_cast %squeeze3A_5 : vector<128xf32> to vector<128x1xf32>
    %broadcast_in_dim3A_52 = vector.shape_cast %broadcast_in_dim3A_51 : vector<128x1xf32> to vector<128x1xf32>
    %broadcast_in_dim3A_53 = vector.broadcast %broadcast_in_dim3A_52 : vector<128x1xf32> to vector<128x4xf32>
    %broadcast_in_dim3A_54 = vector.shape_cast %squeeze3A_7 : vector<128xf32> to vector<128x1xf32>
    %broadcast_in_dim3A_55 = vector.shape_cast %broadcast_in_dim3A_54 : vector<128x1xf32> to vector<128x1xf32>
    %broadcast_in_dim3A_56 = vector.broadcast %broadcast_in_dim3A_55 : vector<128x1xf32> to vector<128x4xf32>
    %concatenate3A_57 = tpu.concatenate %broadcast_in_dim3A_47, %broadcast_in_dim3A_50, %broadcast_in_dim3A_53, %broadcast_in_dim3A_56 in 1 : vector<128x4xf32>, vector<128x4xf32>, vector<128x4xf32>, vector<128x4xf32> -> vector<128x16xf32>
    %mul3A_58 = vector.broadcast %concatenate3A : vector<1x16xf32> to vector<128x16xf32>
    %mul3A_59 = arith.mulf %concatenate3A_57, %mul3A_58 : vector<128x16xf32>
    %add3A = vector.broadcast %concatenate3A_44 : vector<1x16xf32> to vector<128x16xf32>
    %add3A_60 = arith.addf %mul3A_59, %add3A : vector<128x16xf32>
    %get3A_61 = arith.constant 0 : index
    %get3A_62 = arith.constant 0 : index
    %get3A_63 = vector.load %arg5[%get3A_61, %get3A_62] : memref<10x16xf32, #tpu.memory_space<vmem>>, vector<10x16xf32>
    %dot_general3A = arith.constant dense<0.000000e+00> : vector<128x10xf32>
    %dot_general3A_64 = tpu.matmul %add3A_60, %get3A_63, %dot_general3A {dimension_numbers = #tpu.dot_dimension_numbers<[1], [1], [0], [0], [0, 0, 1, 0], [], []>, transpose_lhs_hint = false} : vector<128x16xf32>, vector<10x16xf32>, vector<128x10xf32> -> vector<128x10xf32>
    %get3A_65 = arith.constant 0 : index
    %get3A_66 = arith.constant 0 : index
    %get3A_67 = vector.load %arg6[%get3A_65, %get3A_66] : memref<1x10xf32, #tpu.memory_space<vmem>>, vector<1x10xf32>
    %add3A_68 = vector.broadcast %get3A_67 : vector<1x10xf32> to vector<128x10xf32>
    %add3A_69 = arith.addf %dot_general3A_64, %add3A_68 : vector<128x10xf32>
    %swap3A = arith.constant 0 : index
    %swap3A_70 = arith.constant 0 : index
    %swap3A_71 = vector.load %arg7[%swap3A, %swap3A_70] : memref<128x10xf32, #tpu.memory_space<vmem>>, vector<128x10xf32>
    tpu.vector_store %arg7[%swap3A, %swap3A_70], %add3A_69 {strides = array<i32>} : memref<128x10xf32, #tpu.memory_space<vmem>>, vector<128x10xf32>,
    return
  }
  func.func @transform_0(%arg0: i32) -> (i32, i32) {
    %c0_i32 = arith.constant 0 : i32
    %c0_i32_0 = arith.constant 0 : i32
    %c0_i32_1 = arith.constant 0 : i32
    return %c0_i32, %c0_i32_0 : i32, i32
  }
  func.func @transform_1(%arg0: i32) -> (i32, i32, i32) {
    %c0_i32 = arith.constant 0 : i32
    %c0_i32_0 = arith.constant 0 : i32
    %c0_i32_1 = arith.constant 0 : i32
    %c0_i32_2 = arith.constant 0 : i32
    return %c0_i32, %c0_i32_0, %c0_i32_1 : i32, i32, i32
  }
  func.func @transform_2(%arg0: i32) -> (i32, i32, i32) {
    %c0_i32 = arith.constant 0 : i32
    %c0_i32_0 = arith.constant 0 : i32
    %c0_i32_1 = arith.constant 0 : i32
    %c0_i32_2 = arith.constant 0 : i32
    return %c0_i32, %c0_i32_0, %c0_i32_1 : i32, i32, i32
  }
  func.func @transform_3(%arg0: i32) -> (i32, i32) {
    %c0_i32 = arith.constant 0 : i32
    %c0_i32_0 = arith.constant 0 : i32
    %c0_i32_1 = arith.constant 0 : i32
    return %c0_i32, %c0_i32_0 : i32, i32
  }
  func.func @transform_4(%arg0: i32) -> (i32, i32) {
    %c0_i32 = arith.constant 0 : i32
    %c0_i32_0 = arith.constant 0 : i32
    %c0_i32_1 = arith.constant 0 : i32
    return %c0_i32, %c0_i32_0 : i32, i32
  }
  func.func @transform_5(%arg0: i32) -> (i32, i32) {
    %c0_i32 = arith.constant 0 : i32
    %c0_i32_0 = arith.constant 0 : i32
    %c0_i32_1 = arith.constant 0 : i32
    return %c0_i32, %c0_i32_0 : i32, i32
  }
  func.func @transform_6(%arg0: i32) -> (i32, i32) {
    %c0_i32 = arith.constant 0 : i32
    %c0_i32_0 = arith.constant 0 : i32
    %c0_i32_1 = arith.constant 0 : i32
    return %c0_i32, %c0_i32_0 : i32, i32
  }
}

module attributes {stable_mosaic.version = 14 : i64} {
  func.func @_tc_body(%arg0: i32, %arg1: memref<32x256x256xf32, #tpu.memory_space<vmem>>, %arg2: memref<4x1x4xf32, #tpu.memory_space<vmem>>, %arg3: memref<4x1x1xf32, #tpu.memory_space<vmem>>, %arg4: memref<4x4xf32, #tpu.memory_space<vmem>>, %arg5: memref<10x16xf32, #tpu.memory_space<vmem>>, %arg6: memref<1x10xf32, #tpu.memory_space<vmem>>, %arg7: memref<32x10xf32, #tpu.memory_space<vmem>>) attributes {dimension_semantics = [#tpu.dimension_semantics<arbitrary>], iteration_bounds = array<i64: 28>, scalar_prefetch = 0 : i64, scratch_operands = 0 : i64, tpu.core_type = #tpu.core_type<tc>, window_params = [{transform_indices = @transform_0, window_bounds = array<i64: 32, 256, 256>}, {pipeline_mode = #tpu.pipeline_mode<synchronous>, transform_indices = @transform_1, window_bounds = array<i64: 4, 1, 4>}, {pipeline_mode = #tpu.pipeline_mode<synchronous>, transform_indices = @transform_2, window_bounds = array<i64: 4, 1, 1>}, {pipeline_mode = #tpu.pipeline_mode<synchronous>, transform_indices = @transform_3, window_bounds = array<i64: 4, 4>}, {pipeline_mode = #tpu.pipeline_mode<synchronous>, transform_indices = @transform_4, window_bounds = array<i64: 10, 16>}, {pipeline_mode = #tpu.pipeline_mode<synchronous>, transform_indices = @transform_5, window_bounds = array<i64: 1, 10>}, {transform_indices = @transform_6, window_bounds = array<i64: 32, 10>}]} {
    %get3A = arith.constant 0 : index
    %get3A_0 = arith.constant 0 : index
    %get3A_1 = arith.constant 0 : index
    %get3A_2 = vector.load %arg1[%get3A, %get3A_0, %get3A_1] : memref<32x256x256xf32, #tpu.memory_space<vmem>>, vector<32x256x256xf32>
    %slice3A = vector.extract_strided_slice %get3A_2 {offsets = [0, 0, 0], sizes = [32, 128, 128], strides = [1, 1, 1]} : vector<32x256x256xf32> to vector<32x128x128xf32>
    %reduce_sum3A = arith.constant dense<0.000000e+00> : vector<32xf32>
    %reduce_sum3A_3 = vector.multi_reduction <add>, %slice3A, %reduce_sum3A [1, 2] : vector<32x128x128xf32> to vector<32xf32>
    %slice3A_4 = vector.extract_strided_slice %get3A_2 {offsets = [0, 128, 0], sizes = [32, 128, 128], strides = [1, 1, 1]} : vector<32x256x256xf32> to vector<32x128x128xf32>
    %reduce_sum3A_5 = arith.constant dense<0.000000e+00> : vector<32xf32>
    %reduce_sum3A_6 = vector.multi_reduction <add>, %slice3A_4, %reduce_sum3A_5 [1, 2] : vector<32x128x128xf32> to vector<32xf32>
    %slice3A_7 = vector.extract_strided_slice %get3A_2 {offsets = [0, 128, 128], sizes = [32, 128, 128], strides = [1, 1, 1]} : vector<32x256x256xf32> to vector<32x128x128xf32>
    %reduce_sum3A_8 = arith.constant dense<0.000000e+00> : vector<32xf32>
    %reduce_sum3A_9 = vector.multi_reduction <add>, %slice3A_7, %reduce_sum3A_8 [1, 2] : vector<32x128x128xf32> to vector<32xf32>
    %slice3A_10 = vector.extract_strided_slice %get3A_2 {offsets = [0, 0, 128], sizes = [32, 128, 128], strides = [1, 1, 1]} : vector<32x256x256xf32> to vector<32x128x128xf32>
    %reduce_sum3A_11 = arith.constant dense<0.000000e+00> : vector<32xf32>
    %reduce_sum3A_12 = vector.multi_reduction <add>, %slice3A_10, %reduce_sum3A_11 [1, 2] : vector<32x128x128xf32> to vector<32xf32>
    %get3A_13 = arith.constant 0 : index
    %get3A_14 = arith.constant 0 : index
    %get3A_15 = arith.constant 0 : index
    %get3A_16 = vector.load %arg2[%get3A_13, %get3A_14, %get3A_15] : memref<4x1x4xf32, #tpu.memory_space<vmem>>, vector<4x1x4xf32>
    %mul3A = arith.mulf %get3A_16, %get3A_16 : vector<4x1x4xf32>
    %reduce_sum3A_17 = arith.constant dense<0.000000e+00> : vector<4x1xf32>
    %reduce_sum3A_18 = vector.multi_reduction <add>, %mul3A, %reduce_sum3A_17 [2] : vector<4x1x4xf32> to vector<4x1xf32>
    %broadcast_in_dim3A = vector.shape_cast %reduce_sum3A_18 : vector<4x1xf32> to vector<4x1x1xf32>
    %get3A_19 = arith.constant 0 : index
    %get3A_20 = arith.constant 0 : index
    %get3A_21 = arith.constant 0 : index
    %get3A_22 = vector.load %arg3[%get3A_19, %get3A_20, %get3A_21] : memref<4x1x1xf32, #tpu.memory_space<vmem>>, vector<4x1x1xf32>
    %mul3A_23 = vector.broadcast %get3A_22 : vector<4x1x1xf32> to vector<4x1x4xf32>
    %mul3A_24 = arith.mulf %mul3A_23, %get3A_16 : vector<4x1x4xf32>
    %rsqrt3A = math.rsqrt %broadcast_in_dim3A : vector<4x1x1xf32>
    %mul3A_25 = vector.broadcast %rsqrt3A : vector<4x1x1xf32> to vector<4x1x4xf32>
    %mul3A_26 = arith.mulf %mul3A_24, %mul3A_25 : vector<4x1x4xf32>
    %get3A_27 = arith.constant 0 : index
    %get3A_28 = arith.constant 0 : index
    %get3A_29 = vector.load %arg4[%get3A_27, %get3A_28] : memref<4x4xf32, #tpu.memory_space<vmem>>, vector<4x4xf32>
    %slice3A_30 = vector.extract_strided_slice %mul3A_26 {offsets = [0, 0, 0], sizes = [1, 1, 4], strides = [1, 1, 1]} : vector<4x1x4xf32> to vector<1x1x4xf32>
    %squeeze3A = vector.shape_cast %slice3A_30 : vector<1x1x4xf32> to vector<1x4xf32>
    %slice3A_31 = vector.extract_strided_slice %mul3A_26 {offsets = [1, 0, 0], sizes = [1, 1, 4], strides = [1, 1, 1]} : vector<4x1x4xf32> to vector<1x1x4xf32>
    %squeeze3A_32 = vector.shape_cast %slice3A_31 : vector<1x1x4xf32> to vector<1x4xf32>
    %slice3A_33 = vector.extract_strided_slice %mul3A_26 {offsets = [2, 0, 0], sizes = [1, 1, 4], strides = [1, 1, 1]} : vector<4x1x4xf32> to vector<1x1x4xf32>
    %squeeze3A_34 = vector.shape_cast %slice3A_33 : vector<1x1x4xf32> to vector<1x4xf32>
    %slice3A_35 = vector.extract_strided_slice %mul3A_26 {offsets = [3, 0, 0], sizes = [1, 1, 4], strides = [1, 1, 1]} : vector<4x1x4xf32> to vector<1x1x4xf32>
    %squeeze3A_36 = vector.shape_cast %slice3A_35 : vector<1x1x4xf32> to vector<1x4xf32>
    %concatenate3A = tpu.concatenate %squeeze3A, %squeeze3A_32, %squeeze3A_34, %squeeze3A_36 in 1 : vector<1x4xf32>, vector<1x4xf32>, vector<1x4xf32>, vector<1x4xf32> -> vector<1x16xf32>
    %slice3A_37 = vector.extract_strided_slice %get3A_29 {offsets = [0, 0], sizes = [1, 4], strides = [1, 1]} : vector<4x4xf32> to vector<1x4xf32>
    %squeeze3A_38 = vector.shape_cast %slice3A_37 : vector<1x4xf32> to vector<4xf32>
    %broadcast_in_dim3A_39 = vector.shape_cast %squeeze3A_38 : vector<4xf32> to vector<1x4xf32>
    %slice3A_40 = vector.extract_strided_slice %get3A_29 {offsets = [1, 0], sizes = [1, 4], strides = [1, 1]} : vector<4x4xf32> to vector<1x4xf32>
    %squeeze3A_41 = vector.shape_cast %slice3A_40 : vector<1x4xf32> to vector<4xf32>
    %broadcast_in_dim3A_42 = vector.shape_cast %squeeze3A_41 : vector<4xf32> to vector<1x4xf32>
    %slice3A_43 = vector.extract_strided_slice %get3A_29 {offsets = [2, 0], sizes = [1, 4], strides = [1, 1]} : vector<4x4xf32> to vector<1x4xf32>
    %squeeze3A_44 = vector.shape_cast %slice3A_43 : vector<1x4xf32> to vector<4xf32>
    %broadcast_in_dim3A_45 = vector.shape_cast %squeeze3A_44 : vector<4xf32> to vector<1x4xf32>
    %slice3A_46 = vector.extract_strided_slice %get3A_29 {offsets = [3, 0], sizes = [1, 4], strides = [1, 1]} : vector<4x4xf32> to vector<1x4xf32>
    %squeeze3A_47 = vector.shape_cast %slice3A_46 : vector<1x4xf32> to vector<4xf32>
    %broadcast_in_dim3A_48 = vector.shape_cast %squeeze3A_47 : vector<4xf32> to vector<1x4xf32>
    %concatenate3A_49 = tpu.concatenate %broadcast_in_dim3A_39, %broadcast_in_dim3A_42, %broadcast_in_dim3A_45, %broadcast_in_dim3A_48 in 1 : vector<1x4xf32>, vector<1x4xf32>, vector<1x4xf32>, vector<1x4xf32> -> vector<1x16xf32>
    %broadcast_in_dim3A_50 = vector.shape_cast %reduce_sum3A_3 : vector<32xf32> to vector<32x1xf32>
    %broadcast_in_dim3A_51 = vector.shape_cast %broadcast_in_dim3A_50 : vector<32x1xf32> to vector<32x1xf32>
    %broadcast_in_dim3A_52 = vector.broadcast %broadcast_in_dim3A_51 : vector<32x1xf32> to vector<32x4xf32>
    %broadcast_in_dim3A_53 = vector.shape_cast %reduce_sum3A_6 : vector<32xf32> to vector<32x1xf32>
    %broadcast_in_dim3A_54 = vector.shape_cast %broadcast_in_dim3A_53 : vector<32x1xf32> to vector<32x1xf32>
    %broadcast_in_dim3A_55 = vector.broadcast %broadcast_in_dim3A_54 : vector<32x1xf32> to vector<32x4xf32>
    %broadcast_in_dim3A_56 = vector.shape_cast %reduce_sum3A_9 : vector<32xf32> to vector<32x1xf32>
    %broadcast_in_dim3A_57 = vector.shape_cast %broadcast_in_dim3A_56 : vector<32x1xf32> to vector<32x1xf32>
    %broadcast_in_dim3A_58 = vector.broadcast %broadcast_in_dim3A_57 : vector<32x1xf32> to vector<32x4xf32>
    %broadcast_in_dim3A_59 = vector.shape_cast %reduce_sum3A_12 : vector<32xf32> to vector<32x1xf32>
    %broadcast_in_dim3A_60 = vector.shape_cast %broadcast_in_dim3A_59 : vector<32x1xf32> to vector<32x1xf32>
    %broadcast_in_dim3A_61 = vector.broadcast %broadcast_in_dim3A_60 : vector<32x1xf32> to vector<32x4xf32>
    %concatenate3A_62 = tpu.concatenate %broadcast_in_dim3A_52, %broadcast_in_dim3A_55, %broadcast_in_dim3A_58, %broadcast_in_dim3A_61 in 1 : vector<32x4xf32>, vector<32x4xf32>, vector<32x4xf32>, vector<32x4xf32> -> vector<32x16xf32>
    %mul3A_63 = vector.broadcast %concatenate3A : vector<1x16xf32> to vector<32x16xf32>
    %mul3A_64 = arith.mulf %concatenate3A_62, %mul3A_63 : vector<32x16xf32>
    %add3A = vector.broadcast %concatenate3A_49 : vector<1x16xf32> to vector<32x16xf32>
    %add3A_65 = arith.addf %mul3A_64, %add3A : vector<32x16xf32>
    %get3A_66 = arith.constant 0 : index
    %get3A_67 = arith.constant 0 : index
    %get3A_68 = vector.load %arg5[%get3A_66, %get3A_67] : memref<10x16xf32, #tpu.memory_space<vmem>>, vector<10x16xf32>
    %dot_general3A = arith.constant dense<0.000000e+00> : vector<32x10xf32>
    %dot_general3A_69 = tpu.matmul %add3A_65, %get3A_68, %dot_general3A {dimension_numbers = #tpu.dot_dimension_numbers<[1], [1], [0], [0], [0, 0, 1, 0], [], []>, transpose_lhs_hint = false} : vector<32x16xf32>, vector<10x16xf32>, vector<32x10xf32> -> vector<32x10xf32>
    %get3A_70 = arith.constant 0 : index
    %get3A_71 = arith.constant 0 : index
    %get3A_72 = vector.load %arg6[%get3A_70, %get3A_71] : memref<1x10xf32, #tpu.memory_space<vmem>>, vector<1x10xf32>
    %add3A_73 = vector.broadcast %get3A_72 : vector<1x10xf32> to vector<32x10xf32>
    %add3A_74 = arith.addf %dot_general3A_69, %add3A_73 : vector<32x10xf32>
    %swap3A = arith.constant 0 : index
    %swap3A_75 = arith.constant 0 : index
    %swap3A_76 = vector.load %arg7[%swap3A, %swap3A_75] : memref<32x10xf32, #tpu.memory_space<vmem>>, vector<32x10xf32>
    tpu.vector_store %arg7[%swap3A, %swap3A_75], %add3A_74 {strides = array<i32>} : memref<32x10xf32, #tpu.memory_space<vmem>>, vector<32x10xf32>,
    return
  }
  func.func @transform_0(%arg0: i32) -> (i32, i32, i32) {
    %c0_i32 = arith.constant 0 : i32
    %c0_i32_0 = arith.constant 0 : i32
    %c0_i32_1 = arith.constant 0 : i32
    return %arg0, %c0_i32, %c0_i32_0 : i32, i32, i32
  }
  func.func @transform_1(%arg0: i32) -> (i32, i32, i32) {
    %c0_i32 = arith.constant 0 : i32
    %c0_i32_0 = arith.constant 0 : i32
    %c0_i32_1 = arith.constant 0 : i32
    %c0_i32_2 = arith.constant 0 : i32
    return %c0_i32, %c0_i32_0, %c0_i32_1 : i32, i32, i32
  }
  func.func @transform_2(%arg0: i32) -> (i32, i32, i32) {
    %c0_i32 = arith.constant 0 : i32
    %c0_i32_0 = arith.constant 0 : i32
    %c0_i32_1 = arith.constant 0 : i32
    %c0_i32_2 = arith.constant 0 : i32
    return %c0_i32, %c0_i32_0, %c0_i32_1 : i32, i32, i32
  }
  func.func @transform_3(%arg0: i32) -> (i32, i32) {
    %c0_i32 = arith.constant 0 : i32
    %c0_i32_0 = arith.constant 0 : i32
    %c0_i32_1 = arith.constant 0 : i32
    return %c0_i32, %c0_i32_0 : i32, i32
  }
  func.func @transform_4(%arg0: i32) -> (i32, i32) {
    %c0_i32 = arith.constant 0 : i32
    %c0_i32_0 = arith.constant 0 : i32
    %c0_i32_1 = arith.constant 0 : i32
    return %c0_i32, %c0_i32_0 : i32, i32
  }
  func.func @transform_5(%arg0: i32) -> (i32, i32) {
    %c0_i32 = arith.constant 0 : i32
    %c0_i32_0 = arith.constant 0 : i32
    %c0_i32_1 = arith.constant 0 : i32
    return %c0_i32, %c0_i32_0 : i32, i32
  }
  func.func @transform_6(%arg0: i32) -> (i32, i32) {
    %c0_i32 = arith.constant 0 : i32
    %c0_i32_0 = arith.constant 0 : i32
    return %arg0, %c0_i32 : i32, i32
  }
}

</mosaic_0001>

<sc_bundles>
// kernel: kernel.5.cloned.1.call-start
scs
__scs_entry_jumppad:
0x0: {  	(pc) =	sbr.rel $0x88, $3  }
0x1: {  	(tag) =	ssettag $0x0;
	lr =	simm.s32 $0x1  }
0x2: {  	[smem:$0x3F9B] =	sst lr;
	_ =	strace $0xD0000000  }
0x3: {  	_ = 	snop  }
0x4: {  	_ = 	snop  }
0x5: {  	_ = 	snop  }
0x6: {  	_ = 	snop  }
0x7: {  	_ = 	snop  }
__scs_overlays_trampoline_lowered:
0x8: {  	[smem:$0x3FAA] =	sst s0  }
0x9: {  	[smem:$0x3FAB] =	sst s1  }
0xa: {  	[smem:$0x3FAC] =	sst s2  }
0xb: {  	[smem:$0x3FAD] =	sst s3  }
0xc: {  	[smem:$0x3FAE] =	sst s4  }
0xd: {  	[smem:$0x3FAF] =	sst s5  }
0xe: {  	[smem:$0x3FB0] =	sst s6  }
0xf: {  	[smem:$0x3FB1] =	sst s7  }
0x10: {  	[smem:$0x3FB2] =	sst s8  }
0x11: {  	[smem:$0x3FB3] =	sst s9;
	s0 =	simm.s32 @!p0 $0x0  }
0x12: {  	s1 =	sld [smem:$0x3F99];
	s0 =	simm.s32 @p0 $0x1  }
0x13: {  	[smem:$0x3FB4] =	sst s0;
	s0 =	simm.s32 @!p1 $0x0  }
0x14: {  	s2 =	sld [smem:$0x3F98];
	s0 =	simm.s32 @p1 $0x1  }
0x15: {  	[smem:$0x3FB5] =	sst s0;
	s0 =	simm.s32 @!p2 $0x0  }
0x16: {  	s3 =	sld [smem:$0x3FDB];
	s0 =	simm.s32 @p2 $0x1  }
0x17: {  	s4 =	simm.s32 $0x1BF5;
	[smem:$0x3FB7] =	sst s0  }
0x18: {  	s0 =	sld [smem:$0x3F9A];
	_ =	swait.ge [sflag:s4], $0x0  }
0x19: {  	s7 =	sld [smem:$0x3F9B]  }
0x1a: {  	s8 =	sadd.s32 $0xFFFFE003, lr  }
0x1b: {  	s9 =	sadd.s32 $0xFFFFFEF7, lr;
	s5 =	simm.s32 $0xFFFFFFFF;
	p2 =	slt.u32 s8, $0xFFFFF086  }
0x1c: {  	p1 =	slt.u32 s9, $0xF7A;
	s5 =	simm.s32 @!p2 $0x0  }
0x1d: {  	s5 =	simm.s32 @p1 $0x1;
	p0 =	seq.s32 s7, s2  }
0x1e: {  	s7 =	smul.u32 @!p0 $0xF7A, s2;
	p2 =	seq.s32 @!p0 s5, $0x0  }
0x1f: {  	s9 =	smul.u32 $0xF7A, s1;
	s8 =	simm.s32 @!p0 $0x1BF5;
	p2 =	por !p2, p0  }
0x20: {  	[sflag:s8] =	ssyncset.s32 @!p0 $0xFFFFF086;
	s6 =	sadd.s32 @!p0 s3, s7;
	s7 =	simm.s32 @!p0 $0x108  }
0x21: {  	s3 =	sadd.s32 s3, s9;
	s6 =	sadd.s32 @!p0 $0x88, s6;
	s7 =	simm.s32 @p2 $0x1082  }
0x22: {  	[simem:s7], [sflag:s8] =	dma.local @!p0 [hbm:s6], $0xF7A  }
0x23: {  	s9 =	sor.u32 $0xD0000000, s2;
	s6 =	simm.s32 $0x108;
	_ =	swait.ge @!p0 [sflag:s8], $0x0  }
0x24: {  	s3 =	sadd.s32 $0x88, s3;
	s6 =	simm.s32 @!p1 $0x1082;
	[sflag:s4] =	ssyncset.s32 $0xFFFFF086  }
0x25: {  	[simem:s6], [sflag:s4] =	dma.local [hbm:s3], $0xF7A  }
0x26: {  	[smem:$0x3F9B] =	sst s1;
	(tag) =	ssettag s2;
	_ =	strace s9  }
0x27: {  	s1 =	sld [smem:$0x3FAB]  }
0x28: {  	s2 =	sld [smem:$0x3FAC]  }
0x29: {  	s4 =	sld [smem:$0x3FAE]  }
0x2a: {  	p0 =	seq.s32 s5, $0x0;
	s5 =	sld [smem:$0x3FAF]  }
0x2b: {  	s6 =	sld [smem:$0x3FB0]  }
0x2c: {  	s7 =	sld [smem:$0x3FB1]  }
0x2d: {  	s3 =	simm.s32 $0x108;
	s8 =	sld [smem:$0x3FB2]  }
0x2e: {  	s3 =	simm.s32 @!p0 $0x1082;
	s9 =	sld [smem:$0x3FB3]  }
0x2f: {  	lr =	sadd.s32 s0, s3;
	s0 =	sld [smem:$0x3FAA]  }
0x30: {  	s3 =	sld [smem:$0x3FAD]  }
0x31: {  	[smem:$0x3FB6] =	sst s10  }
0x32: {  	s10 =	sld [smem:$0x3FB4];
	_ =	sdelay $0x3  }
0x33: {  	p0 =	seq.s32 s10, $0x1;
	s10 =	sld [smem:$0x3FB6];
	_ =	sdelay $0x3  }
0x34: {  	[smem:$0x3FB6] =	sst s10  }
0x35: {  	s10 =	sld [smem:$0x3FB5];
	_ =	sdelay $0x3  }
0x36: {  	p1 =	seq.s32 s10, $0x1;
	s10 =	sld [smem:$0x3FB6];
	_ =	sdelay $0x3  }
0x37: {  	[smem:$0x3FB6] =	sst s10  }
0x38: {  	s10 =	sld [smem:$0x3FB7]  }
0x39: {  	_ = 	snop;
	(pc) =	sbr.ind lr, $3  }
0x3a: {  	_ = 	snop  }
0x3b: {  	_ = 	snop  }
0x3c: {  	p2 =	seq.s32 s10, $0x1;
	s10 =	sld [smem:$0x3FB6]  }
0x3d: {  	_ =	shalt  }
0x3e: {  	_ =	shalt  }
0x3f: {  	_ =	shalt  }
0x40: {  	_ =	shalt  }
0x41: {  	_ =	shalt  }
0x42: {  	_ =	shalt  }
0x43: {  	_ =	shalt  }
0x44: {  	_ =	shalt  }
0x45: {  	_ =	shalt  }
0x46: {  	_ =	shalt  }
0x47: {  	_ =	shalt  }
0x48: {  	_ =	shalt  }
0x49: {  	_ =	shalt  }
0x4a: {  	_ =	shalt  }
0x4b: {  	_ =	shalt  }
0x4c: {  	_ =	shalt  }
0x4d: {  	_ =	shalt  }
0x4e: {  	_ =	shalt  }
0x4f: {  	_ =	shalt  }
0x50: {  	_ =	shalt  }
0x51: {  	_ =	shalt  }
0x52: {  	_ =	shalt  }
0x53: {  	_ =	shalt  }
0x54: {  	_ =	shalt  }
0x55: {  	_ =	shalt  }
0x56: {  	_ =	shalt  }
0x57: {  	_ =	shalt  }
0x58: {  	_ =	shalt  }
0x59: {  	_ =	shalt  }
0x5a: {  	_ =	shalt  }
0x5b: {  	_ =	shalt  }
0x5c: {  	_ =	shalt  }
0x5d: {  	_ =	shalt  }
0x5e: {  	_ =	shalt  }
0x5f: {  	_ =	shalt  }
0x60: {  	_ =	shalt  }
0x61: {  	_ =	shalt  }
0x62: {  	_ =	shalt  }
0x63: {  	_ =	shalt  }
0x64: {  	_ =	shalt  }
0x65: {  	_ =	shalt  }
0x66: {  	_ =	shalt  }
0x67: {  	_ =	shalt  }
0x68: {  	_ =	shalt  }
0x69: {  	_ =	shalt  }
0x6a: {  	_ =	shalt  }
0x6b: {  	_ =	shalt  }
0x6c: {  	_ =	shalt  }
0x6d: {  	_ =	shalt  }
0x6e: {  	_ =	shalt  }
0x6f: {  	_ =	shalt  }
0x70: {  	_ =	shalt  }
0x71: {  	_ =	shalt  }
0x72: {  	_ =	shalt  }
0x73: {  	_ =	shalt  }
0x74: {  	_ =	shalt  }
0x75: {  	_ =	shalt  }
0x76: {  	_ =	shalt  }
0x77: {  	_ =	shalt  }
0x78: {  	_ =	shalt  }
0x79: {  	_ =	shalt  }
0x7a: {  	_ =	shalt  }
0x7b: {  	_ =	shalt  }
0x7c: {  	_ =	shalt  }
0x7d: {  	_ =	shalt  }
0x7e: {  	_ =	shalt  }
0x7f: {  	_ =	shalt  }
0x80: {  	_ =	shalt  }
0x81: {  	_ =	shalt  }
0x82: {  	_ =	shalt  }
0x83: {  	_ =	shalt  }
0x84: {  	_ =	shalt  }
0x85: {  	_ =	shalt  }
0x86: {  	_ =	shalt  }
0x87: {  	_ =	shalt  }
.Lfunc_end0:
.L_simem_size_0:
called_computation_lowered:
.L_overlay_start_0:
0x88: {  	s2 =	sld [smem:$0x3FD9]  }
0x89: {  	s3 =	sld [smem:$0x3FFE];
	_ =	sdelay $0x1  }
0x8a: {  	s1 =	srdreg.scid  }
0x8b: {  	s0 =	sand.u32 $0x1, s1  }
0x8c: {  	s18 =	sshll.u32 s0, $0xA;
	s2 =	sadd.s32 s3, s2  }
0x8d: {  	s2 =	sadd.s32 s2, s18  }
0x8e: {  	[smem:$0x3FC2] =	sst s2  }
0x8f: {  	_ = 	snop  }
0x90: {  	s2 =	sld [smem:$0x3FC9]  }
0x91: {  	s19 =	sld [smem:$0x3FD0];
	(tm) =	ssettm $0x1  }
0x92: {  	s4 =	sld [smem:$0x3FFB];
	_ =	sdelay $0x3  }
0x93: {  	_ =	strace s4  }
0x94: {  	s4 =	sld [smem:$0x3FFC];
	_ =	sdelay $0x3  }
0x95: {  	_ =	strace s4  }
0x96: {  	s4 =	sld [smem:$0x3FFD];
	_ =	sdelay $0x3  }
0x97: {  	_ =	strace s4  }
0x98: {  	_ =	strace $0x8FFFFFFF  }
0x99: {  	s20 =	sld [smem:$0x3FDB];
	_ =	sdelay $0x1  }
0x9a: {  	s5 =	simm.s32 $_scs_section_size  }
0x9b: {  	s6 =	simm.s32 $_size__tile_overlayer_lowered;
	s7 =	simm.s32 $_tile_overlayer_lowered  }
0x9c: {  	s23 =	simm.s32 $0x1BFF;
	s22 =	sshll.u32 s7, $0x1;
	s4 =	sadd.s32 s5, s20  }
0x9d: {  	s8 =	simm.s32 $0x0;
	s21 =	sshll.u32 s6, $0x1;
	s6 =	sadd.s32 s22, s4  }
0x9e: {  	[timem:s8], [sflag:s23] =	dma.local [hbm:s6], s21  }
0x9f: {  	_ =	swait.ge [sflag:s23], s21  }
0xa0: {  	s5 =	ssub.s32 $0x0, s21;
	[sflag:s23] =	ssyncset.done $0x0  }
0xa1: {  	[sflag:s23] =	ssyncadd.s32 s5;
	_ =	sdelay $0x1  }
0xa2: {  	s24 =	simm.s32 $0x1B8B  }
0xa3: {  	_ =	swait.ge [sflag:s24], $0x1  }
0xa4: {  	[sflag:s24] =	ssyncset.done $0x0  }
0xa5: {  	s25 =	simm.s32 $0x1B8E;
	[sflag:s24] =	ssyncadd.s32 $0xFFFFFFFF  }
0xa6: {  	s26 =	simm.s32 $execute0_lowered;
	[smem:$0x3FD2] =	sst s25  }
0xa7: {  	s5 =	sshll.u32 s26, $0x1;
	_ =	strace $0x80000046;
	[dreg:$0x1] =	wrdreg $0xFFFFFFFF  }
0xa8: {  	s28 =	simm.s32 $_size_execute0_lowered;
	s4 =	sadd.s32 s4, s5;
	[dreg:$0x0] =	wrdreg $0x0  }
0xa9: {  	s5 =	sshll.u32 s28, $0x1;
	[dreg:$0x2] =	wrdreg s4  }
0xaa: {  	[dreg:$0x3] =	wrdreg s5  }
0xab: {  	[dreg:$0x4] =	wrdreg $0xC0  }
0xac: {  	_ =	task [dreg:s8], $0x5FFFF  }
0xad: {  	[dreg:$0x1] =	wrdreg $0xFFFFFFFF  }
0xae: {  	[dreg:$0x0] =	wrdreg $0x60  }
0xaf: {  	[dreg:$0x2] =	wrdreg s2  }
0xb0: {  	[dreg:$0x3] =	wrdreg s19  }
0xb1: {  	[dreg:$0x4] =	wrdreg $0x9  }
0xb2: {  	_ =	task.clear_ibuf [dreg:s8], $0x5FFFF;
	_ =	strace $0x90000046  }
0xb3: {  	s29 =	simm.s32 $0x9;
	_ =	strace $0x80000048  }
0xb4: {  	_ =	swait.ge [sflag:s29], $0x1  }
0xb5: {  	[sflag:s29] =	ssyncadd.s32 $0xFFFFFFFF  }
0xb6: {  	_ =	strace $0x90000048  }
0xb7: {  	_ =	sfence  }
0xb8: {  	s30 =	sld [smem:$0x0];
	_ =	sdelay $0x2  }
0xb9: {  	s31 =	sshll.u32 s1, $0xD;
	s1 =	sshrl.u32 s1, $0x2  }
0xba: {  	s3 =	sand.u32 $0x4000, s31;
	s1 =	sadd.s32 s1, s30  }
0xbb: {  	s0 =	sor.u32 s3, s0;
	s1 =	sshll.u32 s1, $0x11  }
0xbc: {  	s0 =	sor.u32 s1, s0  }
0xbd: {  	s0 =	sadd.s32 $0x8F2B, s0  }
0xbe: {  	[sflag:s0] =	ssyncadd.remote.s32 $0x1  }
0xbf: {  	_ =	sfence.sel $0xFFFF  }
0xc0: {  	[dreg:$0x0] =	wrdreg $0xFFFFFFFF;
	(pc) =	sbr.abs _section_cstart, $3  }
0xc1: {  	[dreg:$0x1] =	wrdreg $0xFFFFFFFF  }
0xc2: {  	_ =	task.clear_ibuf [dreg:s8], $0x2FFFF;
	_ =	strace $0x9FFFFFFF  }
0xc3: {  	(tm) =	ssettm $0x7FFFFFFF  }
tec
execute0_lowered:
.L_overlay_start_1:
0x0: {  	(tag) =	ssettag $0x1  }
0x1: {  	s7 =	rddreg [dreg:$0x0]  }
0x2: {  	s8 =	rddreg [dreg:$0x1]  }
0x3: {  	s0 =	rddreg [dreg:$0x2];
	s3 =	srdreg.scid  }
0x4: {  	s1 =	stileid.u32;
	s2 =	simm.s32 $0x0;
	s12 =	simm.s32 $0x2  }
0x5: {  	s13 =	simm.s32 $0x10000;
	s14 =	simm.s32 $0x3;
	s15 =	simm.s32 $0x0  }
0x6: {  	s4 =	sand.u32 $0x1, s3;
	s30 =	sshll.u32 s1, $0x1;
	[smem:$0x7FF] =	sst s2  }
0x7: {  	s11 =	sshll.u32 s1, $0x7;
	s5 =	sor.u32 s4, s30;
	_ =	strace $0x80000047  }
0x8: {  	s6 =	ssub.s32 $0x2, s4;
	s10 =	sshll.u32 s4, $0x6;
	s3 =	sshll.u32 s5, $0x3  }
0x9: {  	s9 =	sshrl.u32 s6, $0x1;
	s5 =	sshll.u32 s5, $0xF;
	s8 =	sadd.s32 s8, s10  }
0xa: {  	s10 =	simm.s32 $0x8000;
	s3 =	sor.u32 $0x700, s3;
	s9 =	ssub.s32 s6, s9  }
0xb: {  	s5 =	sadd.s32 s5, s7;
	s6 =	sadd.s32 $0x2000, s7;
	s8 =	sadd.s32 s11, s8  }
0xc: {  	vm0 =	vcmask $0x3F0C;
	s11 =	simm.s32 $0x1;
	s31 =	sshll.u32 s3, $0xC;
	s5 =	sadd.s32 $0x701000, s5  }
0xd: {  	vm1 =	vcmask $0x3F08;
	vm2 =	vcmask $0x3F04;
	v0 =	vlaneseq.u32;
	s9 =	smax.u32 s9, $0x1;
	s4 =	sadd.s32 s7, s31;
	s7 =	sadd.s32 $0x3000, s7  }
.LBB2_1:
0xe: {  	[tilespmem:s2], [sflag:$0x1] =	stream.linear.gather [hbm4b:s4+s2], $0x8000, $0x38;
	[tilespmem:$0x10200] =	vst v63  }
0xf: {  	s16 =	simm.s32 $0x0  }
0x10: {  	[tilespmem:s10], [sflag:$0x2] =	stream.linear.gather [hbm4b:s5+s2], $0x8000, $0x38;
	[tilespmem:$0x10200] =	vst v63  }
.LBB2_2:
0x11: {  	_ =	swait.ge [sflag:s11], $0x8000;
	s17 =	simm.s32 $0x0  }
0x12: {  	[sflag:s11] =	ssyncset.done $0x0;
	s18 =	sand.u32 $0x7800, s17;
	s17 =	sand.u32 $0x380, s17  }
0x13: {  	[sflag:s11] =	ssyncadd.s32 $0xFFFF8000;
	s20 =	sor.u32 s17, s18  }
0x14: {  	v1 =	vld [tilespmem:s20+$0x0]  }
0x15: {  	v2 =	vld [tilespmem:s20+$0x400]  }
0x16: {  	v3 =	vld [tilespmem:s20+$0x10]  }
0x17: {  	v4 =	vld [tilespmem:s20+$0x410]  }
0x18: {  	v5 =	vld [tilespmem:s20+$0x20]  }
0x19: {  	v7 =	vimm.f32 $0.0e+00;
	v6 =	vld [tilespmem:s20+$0x420]  }
0x1a: {  	v8 =	vld [tilespmem:s20+$0x30];
	v1 =	vadd.f32 v1, v7;
	v2 =	vadd.f32 v2, v7  }
0x1b: {  	v7 =	vld [tilespmem:s20+$0x430]  }
0x1c: {  	v9 =	vld [tilespmem:s20+$0x40];
	v1 =	vadd.f32 v3, v1;
	v3 =	vadd.f32 v4, v2  }
0x1d: {  	v10 =	vld [tilespmem:s20+$0x440]  }
0x1e: {  	v2 =	vld [tilespmem:s20+$0x50];
	v5 =	vadd.f32 v5, v1;
	v3 =	vadd.f32 v6, v3  }
0x1f: {  	v4 =	vld [tilespmem:s20+$0x450]  }
0x20: {  	v1 =	vld [tilespmem:s20+$0x60];
	v6 =	vadd.f32 v8, v5;
	v8 =	vadd.f32 v7, v3  }
0x21: {  	s31 =	simm.s32 $0x100;
	s17 =	simm.s32 $0x80;
	v3 =	vld [tilespmem:s20+$0x460]  }
0x22: {  	s18 =	sand.u32 $0x7800, s31;
	s19 =	sand.u32 $0x380, s17;
	v5 =	vld [tilespmem:s20+$0x70];
	v7 =	vadd.f32 v9, v6;
	v8 =	vadd.f32 v10, v8  }
0x23: {  	s18 =	sor.u32 s19, s18;
	s19 =	simm.s32 $0x200;
	v6 =	vld [tilespmem:s20+$0x470]  }
.LBB2_3:
0x24: {  	p0 =	sne.s32 s19, $0x7F00;
	v9 =	vld [tilespmem:s18+$0x0];
	v2 =	vadd.f32 v2, v7;
	v4 =	vadd.f32 v4, v8  }
0x25: {  	v7 =	vld [tilespmem:s18+$0x400]  }
0x26: {  	v8 =	vld [tilespmem:s18+$0x10];
	v1 =	vadd.f32 v1, v2;
	v2 =	vadd.f32 v3, v4  }
0x27: {  	v3 =	vld [tilespmem:s18+$0x410]  }
0x28: {  	v4 =	vld [tilespmem:s18+$0x20];
	v1 =	vadd.f32 v5, v1;
	v2 =	vadd.f32 v6, v2  }
0x29: {  	v5 =	vld [tilespmem:s18+$0x420]  }
0x2a: {  	v1 =	vadd.f32 v9, v1;
	v2 =	vadd.f32 v7, v2;
	v6 =	vld [tilespmem:s18+$0x30]  }
0x2b: {  	v7 =	vld [tilespmem:s18+$0x430]  }
0x2c: {  	v1 =	vadd.f32 v8, v1;
	v2 =	vadd.f32 v3, v2;
	v8 =	vld [tilespmem:s18+$0x40]  }
0x2d: {  	v9 =	vld [tilespmem:s18+$0x440]  }
0x2e: {  	v1 =	vadd.f32 v4, v1;
	v3 =	vadd.f32 v5, v2;
	v2 =	vld [tilespmem:s18+$0x50]  }
.Ltmp0:
0x2f: {  	v4 =	vld [tilespmem:s18+$0x450];
	(pc) =	sbr.rel @p0 .LBB2_3-.Ltmp0, $4  }
0x30: {  	v5 =	vadd.f32 v6, v1;
	v6 =	vadd.f32 v7, v3;
	v1 =	vld [tilespmem:s18+$0x60]  }
0x31: {  	s17 =	sadd.s32 $0x80, s17;
	v3 =	vld [tilespmem:s18+$0x460]  }
0x32: {  	s20 =	sand.u32 $0x7800, s19;
	s21 =	sand.u32 $0x380, s17;
	v7 =	vadd.f32 v8, v5;
	v8 =	vadd.f32 v9, v6;
	v5 =	vld [tilespmem:s18+$0x70]  }
0x33: {  	s19 =	sadd.s32 $0x100, s19;
	v6 =	vld [tilespmem:s18+$0x470];
	s18 =	sor.u32 s21, s20  }
0x34: {  	v9 =	vld [tilespmem:s18+$0x0]  }
0x35: {  	v10 =	vld [tilespmem:s18+$0x400]  }
0x36: {  	v11 =	vld [tilespmem:s18+$0x10]  }
0x37: {  	v12 =	vld [tilespmem:s18+$0x410]  }
0x38: {  	v13 =	vld [tilespmem:s18+$0x20]  }
0x39: {  	v14 =	vld [tilespmem:s18+$0x420]  }
0x3a: {  	v15 =	vld [tilespmem:s18+$0x30]  }
0x3b: {  	v16 =	vld [tilespmem:s18+$0x430]  }
0x3c: {  	v17 =	vld [tilespmem:s18+$0x40]  }
0x3d: {  	v18 =	vld [tilespmem:s18+$0x440]  }
0x3e: {  	v19 =	vld [tilespmem:s18+$0x50]  }
0x3f: {  	v20 =	vld [tilespmem:s18+$0x450]  }
0x40: {  	v21 =	vld [tilespmem:s18+$0x60];
	s17 =	sshll.u32 s16, $0x1  }
0x41: {  	v22 =	vld [tilespmem:s18+$0x460];
	p0 =	seq.s32 s16, $0x3;
	v2 =	vadd.f32 v2, v7;
	v4 =	vadd.f32 v4, v8;
	s17 =	sadd.s32 s3, s17  }
0x42: {  	v7 =	vld [tilespmem:s18+$0x70];
	s17 =	sshll.u32 @!p0 s17, $0xC  }
0x43: {  	v8 =	vld [tilespmem:s18+$0x470];
	s19 =	simm.s32 @!p0 $0x0;
	v1 =	vadd.f32 v1, v2;
	v2 =	vadd.f32 v3, v4;
	s18 =	sadd.s32 @!p0 s17, s6  }
0x44: {  	[tilespmem:s19], [sflag:$0x1] =	stream.linear.gather @!p0 [hbm4b:s18+s19], $0x8000, $0x38;
	[tilespmem:$0x10200] =	vst v63  }
0x45: {  	s29 =	simm.s32 $0x0;
	v1 =	vadd.f32 v5, v1;
	v2 =	vadd.f32 v6, v2;
	_ =	swait.ge [sflag:s12], $0x8000  }
0x46: {  	s30 =	sand.u32 $0x7800, s29;
	s18 =	sand.u32 $0x380, s29;
	[sflag:s12] =	ssyncset.done $0x0  }
0x47: {  	s21 =	sor.u32 s18, s30;
	v1 =	vadd.f32 v9, v1;
	v2 =	vadd.f32 v10, v2;
	[sflag:s12] =	ssyncadd.s32 $0xFFFF8000  }
0x48: {  	v3 =	vld [tilespmem:s21+$0x8000]  }
0x49: {  	v4 =	vld [tilespmem:s21+$0x8400];
	v1 =	vadd.f32 v11, v1;
	v2 =	vadd.f32 v12, v2  }
0x4a: {  	v5 =	vld [tilespmem:s21+$0x8010]  }
0x4b: {  	v6 =	vld [tilespmem:s21+$0x8410];
	v1 =	vadd.f32 v13, v1;
	v2 =	vadd.f32 v14, v2  }
0x4c: {  	v9 =	vld [tilespmem:s21+$0x8020]  }
0x4d: {  	v10 =	vld [tilespmem:s21+$0x8420];
	v11 =	vimm.f32 $0.0e+00;
	v1 =	vadd.f32 v15, v1;
	v2 =	vadd.f32 v16, v2  }
0x4e: {  	v61 =	vld [tilespmem:s21+$0x8030];
	v3 =	vadd.f32 v3, v11;
	v4 =	vadd.f32 v4, v11  }
0x4f: {  	v11 =	vld [tilespmem:s21+$0x8430];
	v1 =	vadd.f32 v17, v1;
	v2 =	vadd.f32 v18, v2  }
0x50: {  	v62 =	vld [tilespmem:s21+$0x8040];
	v5 =	vadd.f32 v5, v3;
	v4 =	vadd.f32 v6, v4  }
0x51: {  	v63 =	vld [tilespmem:s21+$0x8440];
	v1 =	vadd.f32 v19, v1;
	v2 =	vadd.f32 v20, v2  }
0x52: {  	v3 =	vld [tilespmem:s21+$0x8050];
	v6 =	vadd.f32 v9, v5;
	v9 =	vadd.f32 v10, v4  }
0x53: {  	v4 =	vld [tilespmem:s21+$0x8450];
	v1 =	vadd.f32 v21, v1;
	v10 =	vadd.f32 v22, v2  }
0x54: {  	v5 =	vld [tilespmem:s21+$0x8060];
	v12 =	vadd.f32 v61, v6;
	v9 =	vadd.f32 v11, v9  }
0x55: {  	s31 =	simm.s32 $0x100;
	s19 =	simm.s32 $0x80;
	v6 =	vld [tilespmem:s21+$0x8460];
	v2 =	vadd.f32 v7, v1;
	v1 =	vadd.f32 v8, v10  }
0x56: {  	s18 =	sand.u32 $0x7800, s31;
	s20 =	sand.u32 $0x380, s19;
	v7 =	vld [tilespmem:s21+$0x8070];
	v10 =	vadd.f32 v62, v12;
	v9 =	vadd.f32 v63, v9  }
0x57: {  	s18 =	sor.u32 s20, s18;
	s20 =	simm.s32 $0x200;
	v8 =	vld [tilespmem:s21+$0x8470]  }
.LBB2_5:
0x58: {  	p1 =	sne.s32 s20, $0x7F00;
	v11 =	vld [tilespmem:s18+$0x8000];
	v3 =	vadd.f32 v3, v10;
	v4 =	vadd.f32 v4, v9  }
0x59: {  	v9 =	vld [tilespmem:s18+$0x8400]  }
0x5a: {  	v10 =	vld [tilespmem:s18+$0x8010];
	v3 =	vadd.f32 v5, v3;
	v4 =	vadd.f32 v6, v4  }
0x5b: {  	v5 =	vld [tilespmem:s18+$0x8410]  }
0x5c: {  	v6 =	vld [tilespmem:s18+$0x8020];
	v3 =	vadd.f32 v7, v3;
	v4 =	vadd.f32 v8, v4  }
0x5d: {  	v7 =	vld [tilespmem:s18+$0x8420]  }
0x5e: {  	v3 =	vadd.f32 v11, v3;
	v4 =	vadd.f32 v9, v4;
	v8 =	vld [tilespmem:s18+$0x8030]  }
0x5f: {  	v9 =	vld [tilespmem:s18+$0x8430]  }
0x60: {  	v3 =	vadd.f32 v10, v3;
	v4 =	vadd.f32 v5, v4;
	v10 =	vld [tilespmem:s18+$0x8040]  }
0x61: {  	v11 =	vld [tilespmem:s18+$0x8440]  }
0x62: {  	v5 =	vadd.f32 v6, v3;
	v6 =	vadd.f32 v7, v4;
	v3 =	vld [tilespmem:s18+$0x8050]  }
.Ltmp1:
0x63: {  	v4 =	vld [tilespmem:s18+$0x8450];
	(pc) =	sbr.rel @p1 .LBB2_5-.Ltmp1, $4  }
0x64: {  	v7 =	vadd.f32 v8, v5;
	v8 =	vadd.f32 v9, v6;
	v5 =	vld [tilespmem:s18+$0x8060]  }
0x65: {  	s19 =	sadd.s32 $0x80, s19;
	v6 =	vld [tilespmem:s18+$0x8460]  }
0x66: {  	s21 =	sand.u32 $0x7800, s20;
	s22 =	sand.u32 $0x380, s19;
	v10 =	vadd.f32 v10, v7;
	v9 =	vadd.f32 v11, v8;
	v7 =	vld [tilespmem:s18+$0x8070]  }
0x67: {  	s20 =	sadd.s32 $0x100, s20;
	v8 =	vld [tilespmem:s18+$0x8470];
	s18 =	sor.u32 s22, s21  }
0x68: {  	v3 =	vadd.f32 v3, v10  }
0x69: {  	v46 =	vld [tilespmem:s18+$0x8000];
	v4 =	vadd.f32 v4, v9  }
0x6a: {  	v47 =	vld [tilespmem:s18+$0x8400];
	v3 =	vadd.f32 v5, v3  }
0x6b: {  	v48 =	vld [tilespmem:s18+$0x8010];
	v4 =	vadd.f32 v6, v4  }
0x6c: {  	v49 =	vld [tilespmem:s18+$0x8410];
	v3 =	vadd.f32 v7, v3  }
0x6d: {  	v50 =	vld [tilespmem:s18+$0x8020];
	v4 =	vadd.f32 v8, v4  }
0x6e: {  	v51 =	vld [tilespmem:s18+$0x8420];
	v3 =	vadd.f32 v46, v3  }
0x6f: {  	v52 =	vld [tilespmem:s18+$0x8030];
	v4 =	vadd.f32 v47, v4  }
0x70: {  	v53 =	vld [tilespmem:s18+$0x8430];
	v3 =	vadd.f32 v48, v3  }
0x71: {  	v54 =	vld [tilespmem:s18+$0x8040];
	v4 =	vadd.f32 v49, v4  }
0x72: {  	v55 =	vld [tilespmem:s18+$0x8440];
	v3 =	vadd.f32 v50, v3  }
0x73: {  	v56 =	vld [tilespmem:s18+$0x8050];
	v4 =	vadd.f32 v51, v4  }
0x74: {  	v57 =	vld [tilespmem:s18+$0x8450];
	v3 =	vadd.f32 v52, v3  }
0x75: {  	v58 =	vld [tilespmem:s18+$0x8060];
	v4 =	vadd.f32 v53, v4  }
0x76: {  	v59 =	vld [tilespmem:s18+$0x8460];
	v3 =	vadd.f32 v54, v3  }
0x77: {  	v60 =	vld [tilespmem:s18+$0x8070];
	v4 =	vadd.f32 v55, v4  }
0x78: {  	v61 =	vld [tilespmem:s18+$0x8470];
	v3 =	vadd.f32 v56, v3  }
0x79: {  	v4 =	vadd.f32 v57, v4  }
0x7a: {  	v3 =	vadd.f32 v58, v3  }
0x7b: {  	v4 =	vadd.f32 v59, v4  }
0x7c: {  	(xrf2) =	vadd.scan.msk.f32 $0xffff, v2;
	v3 =	vadd.f32 v60, v3  }
0x7d: {  	(xrf2) =	vadd.scan.msk.f32 $0xffff, v1;
	v2 =	vadd.f32 v61, v4  }
0x7e: {  	(xrf2) =	vadd.scan.msk.f32 $0xffff, v3  }
0x7f: {  	(xrf2) =	vadd.scan.msk.f32 $0xffff, v2;
	_ =	sdelay $0x6  }
0x80: {  	v1, _, _ =	vpop (xrf2)  }
0x81: {  	s31 =	sshll.u32 s16, $0x7;
	s17 =	sadd.s32 @!p0 s17, s7;
	v2, _, _ =	vpop (xrf2)  }
0x82: {  	s18 =	simm.s32 @!p0 $0x0;
	s19 =	simm.s32 @!p0 $0x8000;
	s16 =	sadd.s32 $0x1, s16;
	v3, _, _ =	vpop (xrf2)  }
0x83: {  	[tilespmem:s19], [sflag:$0x2] =	stream.linear.gather @!p0 [hbm4b:s17+s18], $0x8000, $0x38;
	v62, _, _ =	vpop (xrf2);
	[tilespmem:$0x10200] =	vst v63  }
0x84: {  	v63 =	vor.u32 s31, v0;
	p0 =	sne.s32 s16, $0x4;
	v2 =	vbroadcast v2, $0xF;
	v4 =	vbroadcast v62, $0xF  }
.Ltmp2:
0x85: {  	v3 =	vbroadcast v3, $0xF;
	(pc) =	sbr.rel @p0 .LBB2_2-.Ltmp2, $4  }
0x86: {  	v1 =	vbroadcast v1, $0xF;
	v2 =	vsel vm0, v2, v4  }
0x87: {  	v2 =	vsel vm1, v2, v3  }
0x88: {  	v1 =	vsel vm2, v2, v1  }
0x89: {  	[tilespmem:v63+s13+$0x0] =	vst.idx.msk $0xf, v1  }
0x8a: {  	s15 =	sadd.s32 $0x1, s15  }
0x8b: {  	p0 =	sne.s32 s15, s9  }
.Ltmp3:
0x8c: {  	_ = 	snop;
	(pc) =	sbr.rel @p0 .LBB2_1-.Ltmp3, $4  }
0x8d: {  	[hbm4b:s8+s2] =	stream.linear.scatter [tilespmem:s13], [sflag:$0x3], $0x200, $0x38;
	[tilespmem:$0x10200] =	vst v63  }
0x8e: {  	_ =	swait.ge [sflag:s14], $0x200  }
0x8f: {  	[sflag:s14] =	ssyncset.done $0x0  }
0x90: {  	[sflag:s14] =	ssyncadd.s32 $0xFFFFFE00  }
0x91: {  	_ =	sfence.sel $0x180000  }
0x92: {  	[bflag:$0x0] =	sbarrier.arrive $0xFFFF  }
0x93: {  	p0 =	sne.s32 s1, $0x0;
	_ =	strace $0x90000047  }
0x94: {  	s0 =	sadd.s32 @!p0 $0x100000, s0;
	[bflag:$0x2] =	sbarrier.arrive $0xFFFF  }
0x95: {  	[sflag:s0] =	ssyncadd.tile.s32 @!p0 $0x1;
	_ =	shalt  }
.Lfunc_end2:
_tile_overlayer_lowered:
.L_overlay_start_2:
0x96: {  	(tag) =	ssettag $0x2  }
0x97: {  	s0 =	rddreg [dreg:$0x0];
	s2 =	stileid.u32  }
0x98: {  	s1 =	rddreg [dreg:$0x1];
	p0 =	sne.s32 s2, $0x0  }
0x99: {  	s3 =	rddreg [dreg:$0x2];
	[bflag:$0x3] =	sbarrier.arrive $0xFFFF;
	s2 =	simm.s32 @!p0 $0x1C03  }
0x9a: {  	[timem:s3], [sflag:s2] =	dma.local @!p0 [hbm:s0], s1  }
0x9b: {  	s0 =	simm.s32 @!p0 $0x3  }
0x9c: {  	_ =	swait.ge @!p0 [sflag:s0], s1  }
0x9d: {  	s1 =	ssub.s32 @!p0 $0x0, s1;
	[sflag:s0] =	ssyncset.done @!p0 $0x0  }
0x9e: {  	[sflag:s0] =	ssyncadd.s32 @!p0 s1  }
0x9f: {  	[bflag:$0x3] =	sbarrier.arrive $0xFFFF  }
0xa0: {  	_ =	shalt  }

</sc_bundles>
